<compile_context>
chip_gen: v7x
topology: tpu7x:2x2x1
jax: 0.10.2.dev20260603
libtpu: 0.0.44.dev20260713+nightly
codegen_flags: <defaults>
</compile_context>

<pallas_src>
import functools

import jax
import jax.numpy as jnp
from jax import lax
from jax.experimental import pallas as pl
from jax.experimental.pallas import tpu as pltpu
from jax.experimental.pallas import tpu_sc as plsc

_D = 768
_F = 2048
_E = 8
_R = 8
_N = 2048
_FT = 512


def _logits_kernel(x_ref, gw_ref, logits_ref):
    logits_ref[...] = jax.lax.dot_general(
        x_ref[...], gw_ref[...], (((1,), (1,)), ((), ())),
        preferred_element_type=jnp.float32)


def _run_logits(data, gate_w):
    return pl.pallas_call(
        _logits_kernel,
        out_shape=jax.ShapeDtypeStruct((_N, _E), jnp.float32),
    )(data, gate_w)


_INFO = plsc.get_sparse_core_info()
_NW = _INFO.num_cores * _INFO.num_subcores
_TPW = _N // _NW
_LANES = 16
_NCH = _TPW // _LANES


def _topk_sc_kernel(lt_hbm, wt_hbm, lv, ov):
    wid = lax.axis_index("s") * _INFO.num_cores + lax.axis_index("c")
    pltpu.sync_copy(lt_hbm.at[wid], lv)
    for c in range(_NCH):
        m1 = lv[pl.ds(c * _LANES, _LANES)]
        i1 = jnp.zeros((_LANES,), jnp.int32)
        for e in range(1, _E):
            v = lv[pl.ds(e * _TPW + c * _LANES, _LANES)]
            gt = v > m1
            i1 = jnp.where(gt, e, i1)
            m1 = jnp.maximum(m1, v)
        m2 = jnp.full((_LANES,), -jnp.inf, jnp.float32)
        i2 = jnp.zeros((_LANES,), jnp.int32)
        for e in range(_E):
            v = lv[pl.ds(e * _TPW + c * _LANES, _LANES)]
            v = jnp.where(i1 == e, -jnp.inf, v)
            gt = v > m2
            i2 = jnp.where(gt, e, i2)
            m2 = jnp.maximum(m2, v)
        v2 = jnp.exp(m2 - m1)
        inv = 1.0 / (1.0 + v2)
        w1 = inv
        w2 = v2 * inv
        zero = jnp.zeros((_LANES,), jnp.float32)
        for e in range(_E):
            ov[pl.ds(e * _TPW + c * _LANES, _LANES)] = (
                jnp.where(i1 == e, w1, zero) + jnp.where(i2 == e, w2, zero))
    pltpu.sync_copy(ov, wt_hbm.at[wid])


def _run_topk_sc(lt_grouped):
    mesh = plsc.VectorSubcoreMesh(core_axis_name="c", subcore_axis_name="s")
    k = functools.partial(
        pl.kernel,
        mesh=mesh,
        out_type=jax.ShapeDtypeStruct((_NW, _E * _TPW), jnp.float32),
        scratch_types=[
            pltpu.VMEM((_E * _TPW,), jnp.float32),
            pltpu.VMEM((_E * _TPW,), jnp.float32),
        ],
    )(_topk_sc_kernel)
    return k(lt_grouped)


def _mlp_kernel(x_ref, wd_ref, w1_ref, w3_ref, w2_ref, af_ref, bf_ref,
                ex_ref, out_ref, xb_ref):
    j = pl.program_id(0)

    @pl.when(j == 0)
    def _prologue():
        x = x_ref[...]
        xb_ref[...] = x.astype(jnp.bfloat16)
        wexp = jax.lax.dot_general(
            wd_ref[...], ex_ref[...], (((1,), (0,)), ((), ())),
            preferred_element_type=jnp.float32)
        t = jax.lax.dot_general(
            x, af_ref[...], (((1,), (1,)), ((), ())),
            preferred_element_type=jnp.float32)
        out_ref[...] = jax.lax.dot_general(
            wexp * t, bf_ref[...], (((1,), (0,)), ((), ())),
            preferred_element_type=jnp.float32)

    xb = xb_ref[...]
    h1 = jax.lax.dot_general(
        xb, w1_ref[...].astype(jnp.bfloat16), (((1,), (1,)), ((), ())),
        preferred_element_type=jnp.float32)
    h3 = jax.lax.dot_general(
        xb, w3_ref[...].astype(jnp.bfloat16), (((1,), (1,)), ((), ())),
        preferred_element_type=jnp.float32)
    h = (h1 * jax.nn.sigmoid(h1)) * h3
    out_ref[...] += jax.lax.dot_general(
        h.astype(jnp.bfloat16), w2_ref[...].astype(jnp.bfloat16),
        (((1,), (1,)), ((), ())),
        preferred_element_type=jnp.float32)


def kernel(data, gate_w, w1, w3, w2, lora_A, lora_B):
    a_flat = lora_A.reshape(_E * _R, _D)
    b_flat = lora_B.transpose(0, 2, 1).reshape(_E * _R, _D)
    expand = jnp.repeat(jnp.eye(_E, dtype=jnp.float32), _R, axis=1)

    logits = _run_logits(data, gate_w)
    lt_g = (logits.reshape(_NW, _TPW, _E).transpose(0, 2, 1)
            .reshape(_NW, _E * _TPW))
    wd_g = _run_topk_sc(lt_g)
    wdense = (wd_g.reshape(_NW, _E, _TPW).transpose(0, 2, 1)
              .reshape(_N, _E))

    grid = (_F // _FT,)
    out = pl.pallas_call(
        _mlp_kernel,
        grid=grid,
        in_specs=[
            pl.BlockSpec((_N, _D), lambda j: (0, 0)),
            pl.BlockSpec((_N, _E), lambda j: (0, 0)),
            pl.BlockSpec((_FT, _D), lambda j: (j, 0)),
            pl.BlockSpec((_FT, _D), lambda j: (j, 0)),
            pl.BlockSpec((_D, _FT), lambda j: (0, j)),
            pl.BlockSpec((_E * _R, _D), lambda j: (0, 0)),
            pl.BlockSpec((_E * _R, _D), lambda j: (0, 0)),
            pl.BlockSpec((_E, _E * _R), lambda j: (0, 0)),
        ],
        out_specs=pl.BlockSpec((_N, _D), lambda j: (0, 0)),
        out_shape=jax.ShapeDtypeStruct((_N, _D), jnp.float32),
        scratch_shapes=[pltpu.VMEM((_N, _D), jnp.bfloat16)],
    )(data, wdense, w1, w3, w2, a_flat, b_flat, expand)
    return out, logits

# --- scband reference (transcript-rebuilt; emitter-appended) ---
"""Pipeline reference for scband-feed-forward-55525337202998 (READ-ONLY COPY).

The authoritative reference and input builder live on the scoring server;
editing this copy changes nothing except your own understanding.
"""

import jax, jax.numpy as jnp
import numpy as np

D_MODEL = 768
D_FF = 2048
E = 8
TOP_K = 2
R = 8
N = 2048  # batch=1 * seq_len=2048


def setup_inputs(seed: int = 0) -> dict:
    key = jax.random.key(seed)
    ks = jax.random.split(key, 7)
    data = jax.random.normal(ks[0], (N, D_MODEL), dtype=jnp.float32)
    gate_w = jax.random.normal(ks[1], (E, D_MODEL), dtype=jnp.float32) * 0.02
    w1 = jax.random.normal(ks[2], (D_FF, D_MODEL), dtype=jnp.float32) * 0.02
    w3 = jax.random.normal(ks[3], (D_FF, D_MODEL), dtype=jnp.float32) * 0.02
    w2 = jax.random.normal(ks[4], (D_MODEL, D_FF), dtype=jnp.float32) * 0.02
    lora_A = jax.random.normal(ks[5], (E, R, D_MODEL), dtype=jnp.float32) * 0.02
    lora_B = jax.random.normal(ks[6], (E, D_MODEL, R), dtype=jnp.float32) * 0.02
    return {"data": data, "gate_w": gate_w, "w1": w1, "w3": w3, "w2": w2,
            "lora_A": lora_A, "lora_B": lora_B}


def reference(data, gate_w, w1, w3, w2, lora_A, lora_B):
    # MixLoRA-style _mixlora_forward with a single adapter covering the whole batch.
    # Router (self.moes_[name].gate_): logits over experts.
    router_logits = data @ gate_w.T                      # [N, E]
    routing = jax.nn.softmax(router_logits, axis=-1)
    top_w, top_i = jax.lax.top_k(routing, TOP_K)         # [N, K]
    top_w = top_w / jnp.sum(top_w, axis=-1, keepdims=True)
    # Shared base MLP (self.mlp_, SwiGLU), computed once for all tokens.
    base = (jax.nn.silu(data @ w1.T) * (data @ w3.T)) @ w2.T   # [N, D]
    # Per-token gather of expert LoRA adapters (SparseCore-style gather).
    A_g = jnp.take(lora_A, top_i, axis=0)                # [N, K, R, D]
    B_g = jnp.take(lora_B, top_i, axis=0)                # [N, K, D, R]
    t = jnp.einsum('nd,nkrd->nkr', data, A_g)            # [N, K, R]
    delta = jnp.einsum('nkr,nkdr->nkd', t, B_g)          # [N, K, D]
    expert_out = base[:, None, :] + delta                # each expert = shared mlp + its LoRA
    combined = jnp.einsum('nk,nkd->nd', top_w, expert_out)
    # final_hidden_states.index_add_(0, lora_range[start:end], current_hidden_states)
    lora_range = jnp.arange(N)
    final_hidden_states = jnp.zeros_like(data).at[lora_range].add(combined)
    return final_hidden_states, router_logits

if __name__ == "__main__":
    import jax
    _d = setup_inputs()
    print(jax.jit(kernel)(*tuple(_d.values())))

</pallas_src>

<mosaic_0001>
#map = affine_map<(d0, d1) -> (0, 0)>
module attributes {stable_mosaic.version = 14 : i64} {
  func.func @_topk_sc_kernel(%arg0: i32, %arg1: i32, %arg2: memref<32x512xf32, #tpu.memory_space<hbm>>, %arg3: memref<32x512xf32, #tpu.memory_space<hbm>>, %arg4: memref<512xf32, #tpu.memory_space<vmem>>, %arg5: memref<512xf32, #tpu.memory_space<vmem>>) attributes {dimension_semantics = [#tpu.dimension_semantics<core_parallel>, #tpu.dimension_semantics<subcore_parallel>], iteration_bounds = array<i64: 2, 16>, scalar_prefetch = 0 : i64, scratch_operands = 2 : i64, tpu.core_type = #tpu.core_type<sc_vector_subcore>, window_params = [{transform_indices = #map}, {transform_indices = #map}]} {
    %mul3A = arith.constant 2 : i32
    %mul3A_0 = arith.muli %arg1, %mul3A : i32
    %add3A = arith.addi %mul3A_0, %arg0 : i32
    "tpu.region"() ({
      %run_scoped3A = tpu.sem_alloc : memref<!tpu.dma_semaphore, #tpu.memory_space<semaphore_mem>>
      %dma_start3A = arith.constant 0 : i32
      %dma_start3A_1158 = tpu.memref_slice %arg2[%add3A, %dma_start3A] : memref<32x512xf32, #tpu.memory_space<hbm>> -> memref<1x512xf32, #tpu.memory_space<hbm>>
      %dma_start3A_1159 = tpu.memref_squeeze %dma_start3A_1158 : memref<1x512xf32, #tpu.memory_space<hbm>> -> memref<512xf32, #tpu.memory_space<hbm>>
      %dma_start3A_1160 = arith.constant 0 : i32
      %dma_start3A_1161 = tpu.memref_slice %arg2[%add3A, %dma_start3A_1160] : memref<32x512xf32, #tpu.memory_space<hbm>> -> memref<1x512xf32, #tpu.memory_space<hbm>>
      %dma_start3A_1162 = tpu.memref_squeeze %dma_start3A_1161 : memref<1x512xf32, #tpu.memory_space<hbm>> -> memref<512xf32, #tpu.memory_space<hbm>>
      tpu.enqueue_dma source(%dma_start3A_1162 : memref<512xf32, #tpu.memory_space<hbm>>) target(%arg4 : memref<512xf32, #tpu.memory_space<vmem>>) target_semaphore(%run_scoped3A : memref<!tpu.dma_semaphore, #tpu.memory_space<semaphore_mem>>)
      %dma_wait3A = arith.constant 0 : i32
      %dma_wait3A_1163 = tpu.memref_slice %arg2[%add3A, %dma_wait3A] : memref<32x512xf32, #tpu.memory_space<hbm>> -> memref<1x512xf32, #tpu.memory_space<hbm>>
      %dma_wait3A_1164 = tpu.memref_squeeze %dma_wait3A_1163 : memref<1x512xf32, #tpu.memory_space<hbm>> -> memref<512xf32, #tpu.memory_space<hbm>>
      %dma_wait3A_1165 = arith.constant 0 : i32
      %dma_wait3A_1166 = tpu.memref_slice %arg2[%add3A, %dma_wait3A_1165] : memref<32x512xf32, #tpu.memory_space<hbm>> -> memref<1x512xf32, #tpu.memory_space<hbm>>
      %dma_wait3A_1167 = tpu.memref_squeeze %dma_wait3A_1166 : memref<1x512xf32, #tpu.memory_space<hbm>> -> memref<512xf32, #tpu.memory_space<hbm>>
      tpu.wait_dma2 semaphore(%run_scoped3A : memref<!tpu.dma_semaphore, #tpu.memory_space<semaphore_mem>>) src(%dma_wait3A_1167 : memref<512xf32, #tpu.memory_space<hbm>>) dst(%arg4 : memref<512xf32, #tpu.memory_space<vmem>>)
      tpu.yield
    }) : () -> ()
    %get3A = arith.constant 0 : index
    %get3A_1 = tpu.vector_load %arg4[%get3A] {strides = array<i32>} : memref<512xf32, #tpu.memory_space<vmem>>, vector<16xf32>,
    %get3A_2 = vector.shape_cast %get3A_1 : vector<16xf32> to vector<16xf32>
    %broadcast_in_dim3A = arith.constant 0 : i32
    %broadcast_in_dim3A_3 = vector.broadcast %broadcast_in_dim3A : i32 to vector<16xi32>
    %get3A_4 = arith.constant 64 : index
    %get3A_5 = tpu.vector_load %arg4[%get3A_4] {strides = array<i32>} : memref<512xf32, #tpu.memory_space<vmem>>, vector<16xf32>,
    %get3A_6 = vector.shape_cast %get3A_5 : vector<16xf32> to vector<16xf32>
    %gt3A = arith.cmpf ogt, %get3A_6, %get3A_2 : vector<16xf32>
    %jit3A = arith.constant 1 : i32
    %broadcast_in_dim3A_7 = vector.broadcast %jit3A : i32 to vector<16xi32>
    %select_n3A = arith.select %gt3A, %broadcast_in_dim3A_7, %broadcast_in_dim3A_3 : vector<16xi1>, vector<16xi32>
    %max3A = arith.maximumf %get3A_2, %get3A_6 : vector<16xf32>
    %get3A_8 = arith.constant 128 : index
    %get3A_9 = tpu.vector_load %arg4[%get3A_8] {strides = array<i32>} : memref<512xf32, #tpu.memory_space<vmem>>, vector<16xf32>,
    %get3A_10 = vector.shape_cast %get3A_9 : vector<16xf32> to vector<16xf32>
    %gt3A_11 = arith.cmpf ogt, %get3A_10, %max3A : vector<16xf32>
    %jit3A_12 = arith.constant 2 : i32
    %broadcast_in_dim3A_13 = vector.broadcast %jit3A_12 : i32 to vector<16xi32>
    %select_n3A_14 = arith.select %gt3A_11, %broadcast_in_dim3A_13, %select_n3A : vector<16xi1>, vector<16xi32>
    %max3A_15 = arith.maximumf %max3A, %get3A_10 : vector<16xf32>
    %get3A_16 = arith.constant 192 : index
    %get3A_17 = tpu.vector_load %arg4[%get3A_16] {strides = array<i32>} : memref<512xf32, #tpu.memory_space<vmem>>, vector<16xf32>,
    %get3A_18 = vector.shape_cast %get3A_17 : vector<16xf32> to vector<16xf32>
    %gt3A_19 = arith.cmpf ogt, %get3A_18, %max3A_15 : vector<16xf32>
    %jit3A_20 = arith.constant 3 : i32
    %broadcast_in_dim3A_21 = vector.broadcast %jit3A_20 : i32 to vector<16xi32>
    %select_n3A_22 = arith.select %gt3A_19, %broadcast_in_dim3A_21, %select_n3A_14 : vector<16xi1>, vector<16xi32>
    %max3A_23 = arith.maximumf %max3A_15, %get3A_18 : vector<16xf32>
    %get3A_24 = arith.constant 256 : index
    %get3A_25 = tpu.vector_load %arg4[%get3A_24] {strides = array<i32>} : memref<512xf32, #tpu.memory_space<vmem>>, vector<16xf32>,
    %get3A_26 = vector.shape_cast %get3A_25 : vector<16xf32> to vector<16xf32>
    %gt3A_27 = arith.cmpf ogt, %get3A_26, %max3A_23 : vector<16xf32>
    %jit3A_28 = arith.constant 4 : i32
    %broadcast_in_dim3A_29 = vector.broadcast %jit3A_28 : i32 to vector<16xi32>
    %select_n3A_30 = arith.select %gt3A_27, %broadcast_in_dim3A_29, %select_n3A_22 : vector<16xi1>, vector<16xi32>
    %max3A_31 = arith.maximumf %max3A_23, %get3A_26 : vector<16xf32>
    %get3A_32 = arith.constant 320 : index
    %get3A_33 = tpu.vector_load %arg4[%get3A_32] {strides = array<i32>} : memref<512xf32, #tpu.memory_space<vmem>>, vector<16xf32>,
    %get3A_34 = vector.shape_cast %get3A_33 : vector<16xf32> to vector<16xf32>
    %gt3A_35 = arith.cmpf ogt, %get3A_34, %max3A_31 : vector<16xf32>
    %jit3A_36 = arith.constant 5 : i32
    %broadcast_in_dim3A_37 = vector.broadcast %jit3A_36 : i32 to vector<16xi32>
    %select_n3A_38 = arith.select %gt3A_35, %broadcast_in_dim3A_37, %select_n3A_30 : vector<16xi1>, vector<16xi32>
    %max3A_39 = arith.maximumf %max3A_31, %get3A_34 : vector<16xf32>
    %get3A_40 = arith.constant 384 : index
    %get3A_41 = tpu.vector_load %arg4[%get3A_40] {strides = array<i32>} : memref<512xf32, #tpu.memory_space<vmem>>, vector<16xf32>,
    %get3A_42 = vector.shape_cast %get3A_41 : vector<16xf32> to vector<16xf32>
    %gt3A_43 = arith.cmpf ogt, %get3A_42, %max3A_39 : vector<16xf32>
    %jit3A_44 = arith.constant 6 : i32
    %broadcast_in_dim3A_45 = vector.broadcast %jit3A_44 : i32 to vector<16xi32>
    %select_n3A_46 = arith.select %gt3A_43, %broadcast_in_dim3A_45, %select_n3A_38 : vector<16xi1>, vector<16xi32>
    %max3A_47 = arith.maximumf %max3A_39, %get3A_42 : vector<16xf32>
    %get3A_48 = arith.constant 448 : index
    %get3A_49 = tpu.vector_load %arg4[%get3A_48] {strides = array<i32>} : memref<512xf32, #tpu.memory_space<vmem>>, vector<16xf32>,
    %get3A_50 = vector.shape_cast %get3A_49 : vector<16xf32> to vector<16xf32>
    %gt3A_51 = arith.cmpf ogt, %get3A_50, %max3A_47 : vector<16xf32>
    %jit3A_52 = arith.constant 7 : i32
    %broadcast_in_dim3A_53 = vector.broadcast %jit3A_52 : i32 to vector<16xi32>
    %select_n3A_54 = arith.select %gt3A_51, %broadcast_in_dim3A_53, %select_n3A_46 : vector<16xi1>, vector<16xi32>
    %max3A_55 = arith.maximumf %max3A_47, %get3A_50 : vector<16xf32>
    %broadcast_in_dim3A_56 = arith.constant 0xFF800000 : f32
    %broadcast_in_dim3A_57 = vector.broadcast %broadcast_in_dim3A_56 : f32 to vector<16xf32>
    %broadcast_in_dim3A_58 = arith.constant 0 : i32
    %broadcast_in_dim3A_59 = vector.broadcast %broadcast_in_dim3A_58 : i32 to vector<16xi32>
    %get3A_60 = arith.constant 0 : index
    %get3A_61 = tpu.vector_load %arg4[%get3A_60] {strides = array<i32>} : memref<512xf32, #tpu.memory_space<vmem>>, vector<16xf32>,
    %get3A_62 = vector.shape_cast %get3A_61 : vector<16xf32> to vector<16xf32>
    %eq3A = arith.constant 0 : i32
    %eq3A_63 = vector.broadcast %eq3A : i32 to vector<16xi32>
    %eq3A_64 = arith.cmpi eq, %select_n3A_54, %eq3A_63 : vector<16xi32>
    %jit3A_65 = arith.constant 0xFF800000 : f32
    %broadcast_in_dim3A_66 = vector.broadcast %jit3A_65 : f32 to vector<16xf32>
    %select_n3A_67 = arith.select %eq3A_64, %broadcast_in_dim3A_66, %get3A_62 : vector<16xi1>, vector<16xf32>
    %gt3A_68 = arith.cmpf ogt, %select_n3A_67, %broadcast_in_dim3A_57 : vector<16xf32>
    %jit3A_69 = arith.constant 0 : i32
    %broadcast_in_dim3A_70 = vector.broadcast %jit3A_69 : i32 to vector<16xi32>
    %select_n3A_71 = arith.select %gt3A_68, %broadcast_in_dim3A_70, %broadcast_in_dim3A_59 : vector<16xi1>, vector<16xi32>
    %max3A_72 = arith.maximumf %broadcast_in_dim3A_57, %select_n3A_67 : vector<16xf32>
    %get3A_73 = arith.constant 64 : index
    %get3A_74 = tpu.vector_load %arg4[%get3A_73] {strides = array<i32>} : memref<512xf32, #tpu.memory_space<vmem>>, vector<16xf32>,
    %get3A_75 = vector.shape_cast %get3A_74 : vector<16xf32> to vector<16xf32>
    %eq3A_76 = arith.constant 1 : i32
    %eq3A_77 = vector.broadcast %eq3A_76 : i32 to vector<16xi32>
    %eq3A_78 = arith.cmpi eq, %select_n3A_54, %eq3A_77 : vector<16xi32>
    %jit3A_79 = arith.constant 0xFF800000 : f32
    %broadcast_in_dim3A_80 = vector.broadcast %jit3A_79 : f32 to vector<16xf32>
    %select_n3A_81 = arith.select %eq3A_78, %broadcast_in_dim3A_80, %get3A_75 : vector<16xi1>, vector<16xf32>
    %gt3A_82 = arith.cmpf ogt, %select_n3A_81, %max3A_72 : vector<16xf32>
    %jit3A_83 = arith.constant 1 : i32
    %broadcast_in_dim3A_84 = vector.broadcast %jit3A_83 : i32 to vector<16xi32>
    %select_n3A_85 = arith.select %gt3A_82, %broadcast_in_dim3A_84, %select_n3A_71 : vector<16xi1>, vector<16xi32>
    %max3A_86 = arith.maximumf %max3A_72, %select_n3A_81 : vector<16xf32>
    %get3A_87 = arith.constant 128 : index
    %get3A_88 = tpu.vector_load %arg4[%get3A_87] {strides = array<i32>} : memref<512xf32, #tpu.memory_space<vmem>>, vector<16xf32>,
    %get3A_89 = vector.shape_cast %get3A_88 : vector<16xf32> to vector<16xf32>
    %eq3A_90 = arith.constant 2 : i32
    %eq3A_91 = vector.broadcast %eq3A_90 : i32 to vector<16xi32>
    %eq3A_92 = arith.cmpi eq, %select_n3A_54, %eq3A_91 : vector<16xi32>
    %jit3A_93 = arith.constant 0xFF800000 : f32
    %broadcast_in_dim3A_94 = vector.broadcast %jit3A_93 : f32 to vector<16xf32>
    %select_n3A_95 = arith.select %eq3A_92, %broadcast_in_dim3A_94, %get3A_89 : vector<16xi1>, vector<16xf32>
    %gt3A_96 = arith.cmpf ogt, %select_n3A_95, %max3A_86 : vector<16xf32>
    %jit3A_97 = arith.constant 2 : i32
    %broadcast_in_dim3A_98 = vector.broadcast %jit3A_97 : i32 to vector<16xi32>
    %select_n3A_99 = arith.select %gt3A_96, %broadcast_in_dim3A_98, %select_n3A_85 : vector<16xi1>, vector<16xi32>
    %max3A_100 = arith.maximumf %max3A_86, %select_n3A_95 : vector<16xf32>
    %get3A_101 = arith.constant 192 : index
    %get3A_102 = tpu.vector_load %arg4[%get3A_101] {strides = array<i32>} : memref<512xf32, #tpu.memory_space<vmem>>, vector<16xf32>,
    %get3A_103 = vector.shape_cast %get3A_102 : vector<16xf32> to vector<16xf32>
    %eq3A_104 = arith.constant 3 : i32
    %eq3A_105 = vector.broadcast %eq3A_104 : i32 to vector<16xi32>
    %eq3A_106 = arith.cmpi eq, %select_n3A_54, %eq3A_105 : vector<16xi32>
    %jit3A_107 = arith.constant 0xFF800000 : f32
    %broadcast_in_dim3A_108 = vector.broadcast %jit3A_107 : f32 to vector<16xf32>
    %select_n3A_109 = arith.select %eq3A_106, %broadcast_in_dim3A_108, %get3A_103 : vector<16xi1>, vector<16xf32>
    %gt3A_110 = arith.cmpf ogt, %select_n3A_109, %max3A_100 : vector<16xf32>
    %jit3A_111 = arith.constant 3 : i32
    %broadcast_in_dim3A_112 = vector.broadcast %jit3A_111 : i32 to vector<16xi32>
    %select_n3A_113 = arith.select %gt3A_110, %broadcast_in_dim3A_112, %select_n3A_99 : vector<16xi1>, vector<16xi32>
    %max3A_114 = arith.maximumf %max3A_100, %select_n3A_109 : vector<16xf32>
    %get3A_115 = arith.constant 256 : index
    %get3A_116 = tpu.vector_load %arg4[%get3A_115] {strides = array<i32>} : memref<512xf32, #tpu.memory_space<vmem>>, vector<16xf32>,
    %get3A_117 = vector.shape_cast %get3A_116 : vector<16xf32> to vector<16xf32>
    %eq3A_118 = arith.constant 4 : i32
    %eq3A_119 = vector.broadcast %eq3A_118 : i32 to vector<16xi32>
    %eq3A_120 = arith.cmpi eq, %select_n3A_54, %eq3A_119 : vector<16xi32>
    %jit3A_121 = arith.constant 0xFF800000 : f32
    %broadcast_in_dim3A_122 = vector.broadcast %jit3A_121 : f32 to vector<16xf32>
    %select_n3A_123 = arith.select %eq3A_120, %broadcast_in_dim3A_122, %get3A_117 : vector<16xi1>, vector<16xf32>
    %gt3A_124 = arith.cmpf ogt, %select_n3A_123, %max3A_114 : vector<16xf32>
    %jit3A_125 = arith.constant 4 : i32
    %broadcast_in_dim3A_126 = vector.broadcast %jit3A_125 : i32 to vector<16xi32>
    %select_n3A_127 = arith.select %gt3A_124, %broadcast_in_dim3A_126, %select_n3A_113 : vector<16xi1>, vector<16xi32>
    %max3A_128 = arith.maximumf %max3A_114, %select_n3A_123 : vector<16xf32>
    %get3A_129 = arith.constant 320 : index
    %get3A_130 = tpu.vector_load %arg4[%get3A_129] {strides = array<i32>} : memref<512xf32, #tpu.memory_space<vmem>>, vector<16xf32>,
    %get3A_131 = vector.shape_cast %get3A_130 : vector<16xf32> to vector<16xf32>
    %eq3A_132 = arith.constant 5 : i32
    %eq3A_133 = vector.broadcast %eq3A_132 : i32 to vector<16xi32>
    %eq3A_134 = arith.cmpi eq, %select_n3A_54, %eq3A_133 : vector<16xi32>
    %jit3A_135 = arith.constant 0xFF800000 : f32
    %broadcast_in_dim3A_136 = vector.broadcast %jit3A_135 : f32 to vector<16xf32>
    %select_n3A_137 = arith.select %eq3A_134, %broadcast_in_dim3A_136, %get3A_131 : vector<16xi1>, vector<16xf32>
    %gt3A_138 = arith.cmpf ogt, %select_n3A_137, %max3A_128 : vector<16xf32>
    %jit3A_139 = arith.constant 5 : i32
    %broadcast_in_dim3A_140 = vector.broadcast %jit3A_139 : i32 to vector<16xi32>
    %select_n3A_141 = arith.select %gt3A_138, %broadcast_in_dim3A_140, %select_n3A_127 : vector<16xi1>, vector<16xi32>
    %max3A_142 = arith.maximumf %max3A_128, %select_n3A_137 : vector<16xf32>
    %get3A_143 = arith.constant 384 : index
    %get3A_144 = tpu.vector_load %arg4[%get3A_143] {strides = array<i32>} : memref<512xf32, #tpu.memory_space<vmem>>, vector<16xf32>,
    %get3A_145 = vector.shape_cast %get3A_144 : vector<16xf32> to vector<16xf32>
    %eq3A_146 = arith.constant 6 : i32
    %eq3A_147 = vector.broadcast %eq3A_146 : i32 to vector<16xi32>
    %eq3A_148 = arith.cmpi eq, %select_n3A_54, %eq3A_147 : vector<16xi32>
    %jit3A_149 = arith.constant 0xFF800000 : f32
    %broadcast_in_dim3A_150 = vector.broadcast %jit3A_149 : f32 to vector<16xf32>
    %select_n3A_151 = arith.select %eq3A_148, %broadcast_in_dim3A_150, %get3A_145 : vector<16xi1>, vector<16xf32>
    %gt3A_152 = arith.cmpf ogt, %select_n3A_151, %max3A_142 : vector<16xf32>
    %jit3A_153 = arith.constant 6 : i32
    %broadcast_in_dim3A_154 = vector.broadcast %jit3A_153 : i32 to vector<16xi32>
    %select_n3A_155 = arith.select %gt3A_152, %broadcast_in_dim3A_154, %select_n3A_141 : vector<16xi1>, vector<16xi32>
    %max3A_156 = arith.maximumf %max3A_142, %select_n3A_151 : vector<16xf32>
    %get3A_157 = arith.constant 448 : index
    %get3A_158 = tpu.vector_load %arg4[%get3A_157] {strides = array<i32>} : memref<512xf32, #tpu.memory_space<vmem>>, vector<16xf32>,
    %get3A_159 = vector.shape_cast %get3A_158 : vector<16xf32> to vector<16xf32>
    %eq3A_160 = arith.constant 7 : i32
    %eq3A_161 = vector.broadcast %eq3A_160 : i32 to vector<16xi32>
    %eq3A_162 = arith.cmpi eq, %select_n3A_54, %eq3A_161 : vector<16xi32>
    %jit3A_163 = arith.constant 0xFF800000 : f32
    %broadcast_in_dim3A_164 = vector.broadcast %jit3A_163 : f32 to vector<16xf32>
    %select_n3A_165 = arith.select %eq3A_162, %broadcast_in_dim3A_164, %get3A_159 : vector<16xi1>, vector<16xf32>
    %gt3A_166 = arith.cmpf ogt, %select_n3A_165, %max3A_156 : vector<16xf32>
    %jit3A_167 = arith.constant 7 : i32
    %broadcast_in_dim3A_168 = vector.broadcast %jit3A_167 : i32 to vector<16xi32>
    %select_n3A_169 = arith.select %gt3A_166, %broadcast_in_dim3A_168, %select_n3A_155 : vector<16xi1>, vector<16xi32>
    %max3A_170 = arith.maximumf %max3A_156, %select_n3A_165 : vector<16xf32>
    %sub3A = arith.subf %max3A_170, %max3A_55 : vector<16xf32>
    %exp3A = math.exp %sub3A : vector<16xf32>
    %add3A_171 = arith.constant 1.000000e+00 : f32
    %add3A_172 = vector.broadcast %add3A_171 : f32 to vector<16xf32>
    %add3A_173 = arith.addf %add3A_172, %exp3A : vector<16xf32>
    %div3A = arith.constant 1.000000e+00 : f32
    %div3A_174 = vector.broadcast %div3A : f32 to vector<16xf32>
    %div3A_175 = arith.divf %div3A_174, %add3A_173 : vector<16xf32>
    %mul3A_176 = arith.mulf %exp3A, %div3A_175 : vector<16xf32>
    %broadcast_in_dim3A_177 = arith.constant 0.000000e+00 : f32
    %broadcast_in_dim3A_178 = vector.broadcast %broadcast_in_dim3A_177 : f32 to vector<16xf32>
    %eq3A_179 = arith.constant 0 : i32
    %eq3A_180 = vector.broadcast %eq3A_179 : i32 to vector<16xi32>
    %eq3A_181 = arith.cmpi eq, %select_n3A_54, %eq3A_180 : vector<16xi32>
    %select_n3A_182 = arith.select %eq3A_181, %div3A_175, %broadcast_in_dim3A_178 : vector<16xi1>, vector<16xf32>
    %eq3A_183 = arith.constant 0 : i32
    %eq3A_184 = vector.broadcast %eq3A_183 : i32 to vector<16xi32>
    %eq3A_185 = arith.cmpi eq, %select_n3A_169, %eq3A_184 : vector<16xi32>
    %select_n3A_186 = arith.select %eq3A_185, %mul3A_176, %broadcast_in_dim3A_178 : vector<16xi1>, vector<16xf32>
    %add3A_187 = arith.addf %select_n3A_182, %select_n3A_186 : vector<16xf32>
    %swap3A = arith.constant 0 : index
    %swap3A_188 = tpu.vector_load %arg5[%swap3A] {strides = array<i32>} : memref<512xf32, #tpu.memory_space<vmem>>, vector<16xf32>,
    %swap3A_189 = vector.shape_cast %swap3A_188 : vector<16xf32> to vector<16xf32>
    %swap3A_190 = vector.shape_cast %add3A_187 : vector<16xf32> to vector<16xf32>
    tpu.vector_store %arg5[%swap3A], %swap3A_190 {strides = array<i32>} : memref<512xf32, #tpu.memory_space<vmem>>, vector<16xf32>,
    %eq3A_191 = arith.constant 1 : i32
    %eq3A_192 = vector.broadcast %eq3A_191 : i32 to vector<16xi32>
    %eq3A_193 = arith.cmpi eq, %select_n3A_54, %eq3A_192 : vector<16xi32>
    %select_n3A_194 = arith.select %eq3A_193, %div3A_175, %broadcast_in_dim3A_178 : vector<16xi1>, vector<16xf32>
    %eq3A_195 = arith.constant 1 : i32
    %eq3A_196 = vector.broadcast %eq3A_195 : i32 to vector<16xi32>
    %eq3A_197 = arith.cmpi eq, %select_n3A_169, %eq3A_196 : vector<16xi32>
    %select_n3A_198 = arith.select %eq3A_197, %mul3A_176, %broadcast_in_dim3A_178 : vector<16xi1>, vector<16xf32>
    %add3A_199 = arith.addf %select_n3A_194, %select_n3A_198 : vector<16xf32>
    %swap3A_200 = arith.constant 64 : index
    %swap3A_201 = tpu.vector_load %arg5[%swap3A_200] {strides = array<i32>} : memref<512xf32, #tpu.memory_space<vmem>>, vector<16xf32>,
    %swap3A_202 = vector.shape_cast %swap3A_201 : vector<16xf32> to vector<16xf32>
    %swap3A_203 = vector.shape_cast %add3A_199 : vector<16xf32> to vector<16xf32>
    tpu.vector_store %arg5[%swap3A_200], %swap3A_203 {strides = array<i32>} : memref<512xf32, #tpu.memory_space<vmem>>, vector<16xf32>,
    %eq3A_204 = arith.constant 2 : i32
    %eq3A_205 = vector.broadcast %eq3A_204 : i32 to vector<16xi32>
    %eq3A_206 = arith.cmpi eq, %select_n3A_54, %eq3A_205 : vector<16xi32>
    %select_n3A_207 = arith.select %eq3A_206, %div3A_175, %broadcast_in_dim3A_178 : vector<16xi1>, vector<16xf32>
    %eq3A_208 = arith.constant 2 : i32
    %eq3A_209 = vector.broadcast %eq3A_208 : i32 to vector<16xi32>
    %eq3A_210 = arith.cmpi eq, %select_n3A_169, %eq3A_209 : vector<16xi32>
    %select_n3A_211 = arith.select %eq3A_210, %mul3A_176, %broadcast_in_dim3A_178 : vector<16xi1>, vector<16xf32>
    %add3A_212 = arith.addf %select_n3A_207, %select_n3A_211 : vector<16xf32>
    %swap3A_213 = arith.constant 128 : index
    %swap3A_214 = tpu.vector_load %arg5[%swap3A_213] {strides = array<i32>} : memref<512xf32, #tpu.memory_space<vmem>>, vector<16xf32>,
    %swap3A_215 = vector.shape_cast %swap3A_214 : vector<16xf32> to vector<16xf32>
    %swap3A_216 = vector.shape_cast %add3A_212 : vector<16xf32> to vector<16xf32>
    tpu.vector_store %arg5[%swap3A_213], %swap3A_216 {strides = array<i32>} : memref<512xf32, #tpu.memory_space<vmem>>, vector<16xf32>,
    %eq3A_217 = arith.constant 3 : i32
    %eq3A_218 = vector.broadcast %eq3A_217 : i32 to vector<16xi32>
    %eq3A_219 = arith.cmpi eq, %select_n3A_54, %eq3A_218 : vector<16xi32>
    %select_n3A_220 = arith.select %eq3A_219, %div3A_175, %broadcast_in_dim3A_178 : vector<16xi1>, vector<16xf32>
    %eq3A_221 = arith.constant 3 : i32
    %eq3A_222 = vector.broadcast %eq3A_221 : i32 to vector<16xi32>
    %eq3A_223 = arith.cmpi eq, %select_n3A_169, %eq3A_222 : vector<16xi32>
    %select_n3A_224 = arith.select %eq3A_223, %mul3A_176, %broadcast_in_dim3A_178 : vector<16xi1>, vector<16xf32>
    %add3A_225 = arith.addf %select_n3A_220, %select_n3A_224 : vector<16xf32>
    %swap3A_226 = arith.constant 192 : index
    %swap3A_227 = tpu.vector_load %arg5[%swap3A_226] {strides = array<i32>} : memref<512xf32, #tpu.memory_space<vmem>>, vector<16xf32>,
    %swap3A_228 = vector.shape_cast %swap3A_227 : vector<16xf32> to vector<16xf32>
    %swap3A_229 = vector.shape_cast %add3A_225 : vector<16xf32> to vector<16xf32>
    tpu.vector_store %arg5[%swap3A_226], %swap3A_229 {strides = array<i32>} : memref<512xf32, #tpu.memory_space<vmem>>, vector<16xf32>,
    %eq3A_230 = arith.constant 4 : i32
    %eq3A_231 = vector.broadcast %eq3A_230 : i32 to vector<16xi32>
    %eq3A_232 = arith.cmpi eq, %select_n3A_54, %eq3A_231 : vector<16xi32>
    %select_n3A_233 = arith.select %eq3A_232, %div3A_175, %broadcast_in_dim3A_178 : vector<16xi1>, vector<16xf32>
    %eq3A_234 = arith.constant 4 : i32
    %eq3A_235 = vector.broadcast %eq3A_234 : i32 to vector<16xi32>
    %eq3A_236 = arith.cmpi eq, %select_n3A_169, %eq3A_235 : vector<16xi32>
    %select_n3A_237 = arith.select %eq3A_236, %mul3A_176, %broadcast_in_dim3A_178 : vector<16xi1>, vector<16xf32>
    %add3A_238 = arith.addf %select_n3A_233, %select_n3A_237 : vector<16xf32>
    %swap3A_239 = arith.constant 256 : index
    %swap3A_240 = tpu.vector_load %arg5[%swap3A_239] {strides = array<i32>} : memref<512xf32, #tpu.memory_space<vmem>>, vector<16xf32>,
    %swap3A_241 = vector.shape_cast %swap3A_240 : vector<16xf32> to vector<16xf32>
    %swap3A_242 = vector.shape_cast %add3A_238 : vector<16xf32> to vector<16xf32>
    tpu.vector_store %arg5[%swap3A_239], %swap3A_242 {strides = array<i32>} : memref<512xf32, #tpu.memory_space<vmem>>, vector<16xf32>,
    %eq3A_243 = arith.constant 5 : i32
    %eq3A_244 = vector.broadcast %eq3A_243 : i32 to vector<16xi32>
    %eq3A_245 = arith.cmpi eq, %select_n3A_54, %eq3A_244 : vector<16xi32>
    %select_n3A_246 = arith.select %eq3A_245, %div3A_175, %broadcast_in_dim3A_178 : vector<16xi1>, vector<16xf32>
    %eq3A_247 = arith.constant 5 : i32
    %eq3A_248 = vector.broadcast %eq3A_247 : i32 to vector<16xi32>
    %eq3A_249 = arith.cmpi eq, %select_n3A_169, %eq3A_248 : vector<16xi32>
    %select_n3A_250 = arith.select %eq3A_249, %mul3A_176, %broadcast_in_dim3A_178 : vector<16xi1>, vector<16xf32>
    %add3A_251 = arith.addf %select_n3A_246, %select_n3A_250 : vector<16xf32>
    %swap3A_252 = arith.constant 320 : index
    %swap3A_253 = tpu.vector_load %arg5[%swap3A_252] {strides = array<i32>} : memref<512xf32, #tpu.memory_space<vmem>>, vector<16xf32>,
    %swap3A_254 = vector.shape_cast %swap3A_253 : vector<16xf32> to vector<16xf32>
    %swap3A_255 = vector.shape_cast %add3A_251 : vector<16xf32> to vector<16xf32>
    tpu.vector_store %arg5[%swap3A_252], %swap3A_255 {strides = array<i32>} : memref<512xf32, #tpu.memory_space<vmem>>, vector<16xf32>,
    %eq3A_256 = arith.constant 6 : i32
    %eq3A_257 = vector.broadcast %eq3A_256 : i32 to vector<16xi32>
    %eq3A_258 = arith.cmpi eq, %select_n3A_54, %eq3A_257 : vector<16xi32>
    %select_n3A_259 = arith.select %eq3A_258, %div3A_175, %broadcast_in_dim3A_178 : vector<16xi1>, vector<16xf32>
    %eq3A_260 = arith.constant 6 : i32
    %eq3A_261 = vector.broadcast %eq3A_260 : i32 to vector<16xi32>
    %eq3A_262 = arith.cmpi eq, %select_n3A_169, %eq3A_261 : vector<16xi32>
    %select_n3A_263 = arith.select %eq3A_262, %mul3A_176, %broadcast_in_dim3A_178 : vector<16xi1>, vector<16xf32>
    %add3A_264 = arith.addf %select_n3A_259, %select_n3A_263 : vector<16xf32>
    %swap3A_265 = arith.constant 384 : index
    %swap3A_266 = tpu.vector_load %arg5[%swap3A_265] {strides = array<i32>} : memref<512xf32, #tpu.memory_space<vmem>>, vector<16xf32>,
    %swap3A_267 = vector.shape_cast %swap3A_266 : vector<16xf32> to vector<16xf32>
    %swap3A_268 = vector.shape_cast %add3A_264 : vector<16xf32> to vector<16xf32>
    tpu.vector_store %arg5[%swap3A_265], %swap3A_268 {strides = array<i32>} : memref<512xf32, #tpu.memory_space<vmem>>, vector<16xf32>,
    %eq3A_269 = arith.constant 7 : i32
    %eq3A_270 = vector.broadcast %eq3A_269 : i32 to vector<16xi32>
    %eq3A_271 = arith.cmpi eq, %select_n3A_54, %eq3A_270 : vector<16xi32>
    %select_n3A_272 = arith.select %eq3A_271, %div3A_175, %broadcast_in_dim3A_178 : vector<16xi1>, vector<16xf32>
    %eq3A_273 = arith.constant 7 : i32
    %eq3A_274 = vector.broadcast %eq3A_273 : i32 to vector<16xi32>
    %eq3A_275 = arith.cmpi eq, %select_n3A_169, %eq3A_274 : vector<16xi32>
    %select_n3A_276 = arith.select %eq3A_275, %mul3A_176, %broadcast_in_dim3A_178 : vector<16xi1>, vector<16xf32>
    %add3A_277 = arith.addf %select_n3A_272, %select_n3A_276 : vector<16xf32>
    %swap3A_278 = arith.constant 448 : index
    %swap3A_279 = tpu.vector_load %arg5[%swap3A_278] {strides = array<i32>} : memref<512xf32, #tpu.memory_space<vmem>>, vector<16xf32>,
    %swap3A_280 = vector.shape_cast %swap3A_279 : vector<16xf32> to vector<16xf32>
    %swap3A_281 = vector.shape_cast %add3A_277 : vector<16xf32> to vector<16xf32>
    tpu.vector_store %arg5[%swap3A_278], %swap3A_281 {strides = array<i32>} : memref<512xf32, #tpu.memory_space<vmem>>, vector<16xf32>,
    %get3A_282 = arith.constant 16 : index
    %get3A_283 = tpu.vector_load %arg4[%get3A_282] {strides = array<i32>} : memref<512xf32, #tpu.memory_space<vmem>>, vector<16xf32>,
    %get3A_284 = vector.shape_cast %get3A_283 : vector<16xf32> to vector<16xf32>
    %broadcast_in_dim3A_285 = arith.constant 0 : i32
    %broadcast_in_dim3A_286 = vector.broadcast %broadcast_in_dim3A_285 : i32 to vector<16xi32>
    %get3A_287 = arith.constant 80 : index
    %get3A_288 = tpu.vector_load %arg4[%get3A_287] {strides = array<i32>} : memref<512xf32, #tpu.memory_space<vmem>>, vector<16xf32>,
    %get3A_289 = vector.shape_cast %get3A_288 : vector<16xf32> to vector<16xf32>
    %gt3A_290 = arith.cmpf ogt, %get3A_289, %get3A_284 : vector<16xf32>
    %jit3A_291 = arith.constant 1 : i32
    %broadcast_in_dim3A_292 = vector.broadcast %jit3A_291 : i32 to vector<16xi32>
    %select_n3A_293 = arith.select %gt3A_290, %broadcast_in_dim3A_292, %broadcast_in_dim3A_286 : vector<16xi1>, vector<16xi32>
    %max3A_294 = arith.maximumf %get3A_284, %get3A_289 : vector<16xf32>
    %get3A_295 = arith.constant 144 : index
    %get3A_296 = tpu.vector_load %arg4[%get3A_295] {strides = array<i32>} : memref<512xf32, #tpu.memory_space<vmem>>, vector<16xf32>,
    %get3A_297 = vector.shape_cast %get3A_296 : vector<16xf32> to vector<16xf32>
    %gt3A_298 = arith.cmpf ogt, %get3A_297, %max3A_294 : vector<16xf32>
    %jit3A_299 = arith.constant 2 : i32
    %broadcast_in_dim3A_300 = vector.broadcast %jit3A_299 : i32 to vector<16xi32>
    %select_n3A_301 = arith.select %gt3A_298, %broadcast_in_dim3A_300, %select_n3A_293 : vector<16xi1>, vector<16xi32>
    %max3A_302 = arith.maximumf %max3A_294, %get3A_297 : vector<16xf32>
    %get3A_303 = arith.constant 208 : index
    %get3A_304 = tpu.vector_load %arg4[%get3A_303] {strides = array<i32>} : memref<512xf32, #tpu.memory_space<vmem>>, vector<16xf32>,
    %get3A_305 = vector.shape_cast %get3A_304 : vector<16xf32> to vector<16xf32>
    %gt3A_306 = arith.cmpf ogt, %get3A_305, %max3A_302 : vector<16xf32>
    %jit3A_307 = arith.constant 3 : i32
    %broadcast_in_dim3A_308 = vector.broadcast %jit3A_307 : i32 to vector<16xi32>
    %select_n3A_309 = arith.select %gt3A_306, %broadcast_in_dim3A_308, %select_n3A_301 : vector<16xi1>, vector<16xi32>
    %max3A_310 = arith.maximumf %max3A_302, %get3A_305 : vector<16xf32>
    %get3A_311 = arith.constant 272 : index
    %get3A_312 = tpu.vector_load %arg4[%get3A_311] {strides = array<i32>} : memref<512xf32, #tpu.memory_space<vmem>>, vector<16xf32>,
    %get3A_313 = vector.shape_cast %get3A_312 : vector<16xf32> to vector<16xf32>
    %gt3A_314 = arith.cmpf ogt, %get3A_313, %max3A_310 : vector<16xf32>
    %jit3A_315 = arith.constant 4 : i32
    %broadcast_in_dim3A_316 = vector.broadcast %jit3A_315 : i32 to vector<16xi32>
    %select_n3A_317 = arith.select %gt3A_314, %broadcast_in_dim3A_316, %select_n3A_309 : vector<16xi1>, vector<16xi32>
    %max3A_318 = arith.maximumf %max3A_310, %get3A_313 : vector<16xf32>
    %get3A_319 = arith.constant 336 : index
    %get3A_320 = tpu.vector_load %arg4[%get3A_319] {strides = array<i32>} : memref<512xf32, #tpu.memory_space<vmem>>, vector<16xf32>,
    %get3A_321 = vector.shape_cast %get3A_320 : vector<16xf32> to vector<16xf32>
    %gt3A_322 = arith.cmpf ogt, %get3A_321, %max3A_318 : vector<16xf32>
    %jit3A_323 = arith.constant 5 : i32
    %broadcast_in_dim3A_324 = vector.broadcast %jit3A_323 : i32 to vector<16xi32>
    %select_n3A_325 = arith.select %gt3A_322, %broadcast_in_dim3A_324, %select_n3A_317 : vector<16xi1>, vector<16xi32>
    %max3A_326 = arith.maximumf %max3A_318, %get3A_321 : vector<16xf32>
    %get3A_327 = arith.constant 400 : index
    %get3A_328 = tpu.vector_load %arg4[%get3A_327] {strides = array<i32>} : memref<512xf32, #tpu.memory_space<vmem>>, vector<16xf32>,
    %get3A_329 = vector.shape_cast %get3A_328 : vector<16xf32> to vector<16xf32>
    %gt3A_330 = arith.cmpf ogt, %get3A_329, %max3A_326 : vector<16xf32>
    %jit3A_331 = arith.constant 6 : i32
    %broadcast_in_dim3A_332 = vector.broadcast %jit3A_331 : i32 to vector<16xi32>
    %select_n3A_333 = arith.select %gt3A_330, %broadcast_in_dim3A_332, %select_n3A_325 : vector<16xi1>, vector<16xi32>
    %max3A_334 = arith.maximumf %max3A_326, %get3A_329 : vector<16xf32>
    %get3A_335 = arith.constant 464 : index
    %get3A_336 = tpu.vector_load %arg4[%get3A_335] {strides = array<i32>} : memref<512xf32, #tpu.memory_space<vmem>>, vector<16xf32>,
    %get3A_337 = vector.shape_cast %get3A_336 : vector<16xf32> to vector<16xf32>
    %gt3A_338 = arith.cmpf ogt, %get3A_337, %max3A_334 : vector<16xf32>
    %jit3A_339 = arith.constant 7 : i32
    %broadcast_in_dim3A_340 = vector.broadcast %jit3A_339 : i32 to vector<16xi32>
    %select_n3A_341 = arith.select %gt3A_338, %broadcast_in_dim3A_340, %select_n3A_333 : vector<16xi1>, vector<16xi32>
    %max3A_342 = arith.maximumf %max3A_334, %get3A_337 : vector<16xf32>
    %broadcast_in_dim3A_343 = arith.constant 0xFF800000 : f32
    %broadcast_in_dim3A_344 = vector.broadcast %broadcast_in_dim3A_343 : f32 to vector<16xf32>
    %broadcast_in_dim3A_345 = arith.constant 0 : i32
    %broadcast_in_dim3A_346 = vector.broadcast %broadcast_in_dim3A_345 : i32 to vector<16xi32>
    %get3A_347 = arith.constant 16 : index
    %get3A_348 = tpu.vector_load %arg4[%get3A_347] {strides = array<i32>} : memref<512xf32, #tpu.memory_space<vmem>>, vector<16xf32>,
    %get3A_349 = vector.shape_cast %get3A_348 : vector<16xf32> to vector<16xf32>
    %eq3A_350 = arith.constant 0 : i32
    %eq3A_351 = vector.broadcast %eq3A_350 : i32 to vector<16xi32>
    %eq3A_352 = arith.cmpi eq, %select_n3A_341, %eq3A_351 : vector<16xi32>
    %jit3A_353 = arith.constant 0xFF800000 : f32
    %broadcast_in_dim3A_354 = vector.broadcast %jit3A_353 : f32 to vector<16xf32>
    %select_n3A_355 = arith.select %eq3A_352, %broadcast_in_dim3A_354, %get3A_349 : vector<16xi1>, vector<16xf32>
    %gt3A_356 = arith.cmpf ogt, %select_n3A_355, %broadcast_in_dim3A_344 : vector<16xf32>
    %jit3A_357 = arith.constant 0 : i32
    %broadcast_in_dim3A_358 = vector.broadcast %jit3A_357 : i32 to vector<16xi32>
    %select_n3A_359 = arith.select %gt3A_356, %broadcast_in_dim3A_358, %broadcast_in_dim3A_346 : vector<16xi1>, vector<16xi32>
    %max3A_360 = arith.maximumf %broadcast_in_dim3A_344, %select_n3A_355 : vector<16xf32>
    %get3A_361 = arith.constant 80 : index
    %get3A_362 = tpu.vector_load %arg4[%get3A_361] {strides = array<i32>} : memref<512xf32, #tpu.memory_space<vmem>>, vector<16xf32>,
    %get3A_363 = vector.shape_cast %get3A_362 : vector<16xf32> to vector<16xf32>
    %eq3A_364 = arith.constant 1 : i32
    %eq3A_365 = vector.broadcast %eq3A_364 : i32 to vector<16xi32>
    %eq3A_366 = arith.cmpi eq, %select_n3A_341, %eq3A_365 : vector<16xi32>
    %jit3A_367 = arith.constant 0xFF800000 : f32
    %broadcast_in_dim3A_368 = vector.broadcast %jit3A_367 : f32 to vector<16xf32>
    %select_n3A_369 = arith.select %eq3A_366, %broadcast_in_dim3A_368, %get3A_363 : vector<16xi1>, vector<16xf32>
    %gt3A_370 = arith.cmpf ogt, %select_n3A_369, %max3A_360 : vector<16xf32>
    %jit3A_371 = arith.constant 1 : i32
    %broadcast_in_dim3A_372 = vector.broadcast %jit3A_371 : i32 to vector<16xi32>
    %select_n3A_373 = arith.select %gt3A_370, %broadcast_in_dim3A_372, %select_n3A_359 : vector<16xi1>, vector<16xi32>
    %max3A_374 = arith.maximumf %max3A_360, %select_n3A_369 : vector<16xf32>
    %get3A_375 = arith.constant 144 : index
    %get3A_376 = tpu.vector_load %arg4[%get3A_375] {strides = array<i32>} : memref<512xf32, #tpu.memory_space<vmem>>, vector<16xf32>,
    %get3A_377 = vector.shape_cast %get3A_376 : vector<16xf32> to vector<16xf32>
    %eq3A_378 = arith.constant 2 : i32
    %eq3A_379 = vector.broadcast %eq3A_378 : i32 to vector<16xi32>
    %eq3A_380 = arith.cmpi eq, %select_n3A_341, %eq3A_379 : vector<16xi32>
    %jit3A_381 = arith.constant 0xFF800000 : f32
    %broadcast_in_dim3A_382 = vector.broadcast %jit3A_381 : f32 to vector<16xf32>
    %select_n3A_383 = arith.select %eq3A_380, %broadcast_in_dim3A_382, %get3A_377 : vector<16xi1>, vector<16xf32>
    %gt3A_384 = arith.cmpf ogt, %select_n3A_383, %max3A_374 : vector<16xf32>
    %jit3A_385 = arith.constant 2 : i32
    %broadcast_in_dim3A_386 = vector.broadcast %jit3A_385 : i32 to vector<16xi32>
    %select_n3A_387 = arith.select %gt3A_384, %broadcast_in_dim3A_386, %select_n3A_373 : vector<16xi1>, vector<16xi32>
    %max3A_388 = arith.maximumf %max3A_374, %select_n3A_383 : vector<16xf32>
    %get3A_389 = arith.constant 208 : index
    %get3A_390 = tpu.vector_load %arg4[%get3A_389] {strides = array<i32>} : memref<512xf32, #tpu.memory_space<vmem>>, vector<16xf32>,
    %get3A_391 = vector.shape_cast %get3A_390 : vector<16xf32> to vector<16xf32>
    %eq3A_392 = arith.constant 3 : i32
    %eq3A_393 = vector.broadcast %eq3A_392 : i32 to vector<16xi32>
    %eq3A_394 = arith.cmpi eq, %select_n3A_341, %eq3A_393 : vector<16xi32>
    %jit3A_395 = arith.constant 0xFF800000 : f32
    %broadcast_in_dim3A_396 = vector.broadcast %jit3A_395 : f32 to vector<16xf32>
    %select_n3A_397 = arith.select %eq3A_394, %broadcast_in_dim3A_396, %get3A_391 : vector<16xi1>, vector<16xf32>
    %gt3A_398 = arith.cmpf ogt, %select_n3A_397, %max3A_388 : vector<16xf32>
    %jit3A_399 = arith.constant 3 : i32
    %broadcast_in_dim3A_400 = vector.broadcast %jit3A_399 : i32 to vector<16xi32>
    %select_n3A_401 = arith.select %gt3A_398, %broadcast_in_dim3A_400, %select_n3A_387 : vector<16xi1>, vector<16xi32>
    %max3A_402 = arith.maximumf %max3A_388, %select_n3A_397 : vector<16xf32>
    %get3A_403 = arith.constant 272 : index
    %get3A_404 = tpu.vector_load %arg4[%get3A_403] {strides = array<i32>} : memref<512xf32, #tpu.memory_space<vmem>>, vector<16xf32>,
    %get3A_405 = vector.shape_cast %get3A_404 : vector<16xf32> to vector<16xf32>
    %eq3A_406 = arith.constant 4 : i32
    %eq3A_407 = vector.broadcast %eq3A_406 : i32 to vector<16xi32>
    %eq3A_408 = arith.cmpi eq, %select_n3A_341, %eq3A_407 : vector<16xi32>
    %jit3A_409 = arith.constant 0xFF800000 : f32
    %broadcast_in_dim3A_410 = vector.broadcast %jit3A_409 : f32 to vector<16xf32>
    %select_n3A_411 = arith.select %eq3A_408, %broadcast_in_dim3A_410, %get3A_405 : vector<16xi1>, vector<16xf32>
    %gt3A_412 = arith.cmpf ogt, %select_n3A_411, %max3A_402 : vector<16xf32>
    %jit3A_413 = arith.constant 4 : i32
    %broadcast_in_dim3A_414 = vector.broadcast %jit3A_413 : i32 to vector<16xi32>
    %select_n3A_415 = arith.select %gt3A_412, %broadcast_in_dim3A_414, %select_n3A_401 : vector<16xi1>, vector<16xi32>
    %max3A_416 = arith.maximumf %max3A_402, %select_n3A_411 : vector<16xf32>
    %get3A_417 = arith.constant 336 : index
    %get3A_418 = tpu.vector_load %arg4[%get3A_417] {strides = array<i32>} : memref<512xf32, #tpu.memory_space<vmem>>, vector<16xf32>,
    %get3A_419 = vector.shape_cast %get3A_418 : vector<16xf32> to vector<16xf32>
    %eq3A_420 = arith.constant 5 : i32
    %eq3A_421 = vector.broadcast %eq3A_420 : i32 to vector<16xi32>
    %eq3A_422 = arith.cmpi eq, %select_n3A_341, %eq3A_421 : vector<16xi32>
    %jit3A_423 = arith.constant 0xFF800000 : f32
    %broadcast_in_dim3A_424 = vector.broadcast %jit3A_423 : f32 to vector<16xf32>
    %select_n3A_425 = arith.select %eq3A_422, %broadcast_in_dim3A_424, %get3A_419 : vector<16xi1>, vector<16xf32>
    %gt3A_426 = arith.cmpf ogt, %select_n3A_425, %max3A_416 : vector<16xf32>
    %jit3A_427 = arith.constant 5 : i32
    %broadcast_in_dim3A_428 = vector.broadcast %jit3A_427 : i32 to vector<16xi32>
    %select_n3A_429 = arith.select %gt3A_426, %broadcast_in_dim3A_428, %select_n3A_415 : vector<16xi1>, vector<16xi32>
    %max3A_430 = arith.maximumf %max3A_416, %select_n3A_425 : vector<16xf32>
    %get3A_431 = arith.constant 400 : index
    %get3A_432 = tpu.vector_load %arg4[%get3A_431] {strides = array<i32>} : memref<512xf32, #tpu.memory_space<vmem>>, vector<16xf32>,
    %get3A_433 = vector.shape_cast %get3A_432 : vector<16xf32> to vector<16xf32>
    %eq3A_434 = arith.constant 6 : i32
    %eq3A_435 = vector.broadcast %eq3A_434 : i32 to vector<16xi32>
    %eq3A_436 = arith.cmpi eq, %select_n3A_341, %eq3A_435 : vector<16xi32>
    %jit3A_437 = arith.constant 0xFF800000 : f32
    %broadcast_in_dim3A_438 = vector.broadcast %jit3A_437 : f32 to vector<16xf32>
    %select_n3A_439 = arith.select %eq3A_436, %broadcast_in_dim3A_438, %get3A_433 : vector<16xi1>, vector<16xf32>
    %gt3A_440 = arith.cmpf ogt, %select_n3A_439, %max3A_430 : vector<16xf32>
    %jit3A_441 = arith.constant 6 : i32
    %broadcast_in_dim3A_442 = vector.broadcast %jit3A_441 : i32 to vector<16xi32>
    %select_n3A_443 = arith.select %gt3A_440, %broadcast_in_dim3A_442, %select_n3A_429 : vector<16xi1>, vector<16xi32>
    %max3A_444 = arith.maximumf %max3A_430, %select_n3A_439 : vector<16xf32>
    %get3A_445 = arith.constant 464 : index
    %get3A_446 = tpu.vector_load %arg4[%get3A_445] {strides = array<i32>} : memref<512xf32, #tpu.memory_space<vmem>>, vector<16xf32>,
    %get3A_447 = vector.shape_cast %get3A_446 : vector<16xf32> to vector<16xf32>
    %eq3A_448 = arith.constant 7 : i32
    %eq3A_449 = vector.broadcast %eq3A_448 : i32 to vector<16xi32>
    %eq3A_450 = arith.cmpi eq, %select_n3A_341, %eq3A_449 : vector<16xi32>
    %jit3A_451 = arith.constant 0xFF800000 : f32
    %broadcast_in_dim3A_452 = vector.broadcast %jit3A_451 : f32 to vector<16xf32>
    %select_n3A_453 = arith.select %eq3A_450, %broadcast_in_dim3A_452, %get3A_447 : vector<16xi1>, vector<16xf32>
    %gt3A_454 = arith.cmpf ogt, %select_n3A_453, %max3A_444 : vector<16xf32>
    %jit3A_455 = arith.constant 7 : i32
    %broadcast_in_dim3A_456 = vector.broadcast %jit3A_455 : i32 to vector<16xi32>
    %select_n3A_457 = arith.select %gt3A_454, %broadcast_in_dim3A_456, %select_n3A_443 : vector<16xi1>, vector<16xi32>
    %max3A_458 = arith.maximumf %max3A_444, %select_n3A_453 : vector<16xf32>
    %sub3A_459 = arith.subf %max3A_458, %max3A_342 : vector<16xf32>
    %exp3A_460 = math.exp %sub3A_459 : vector<16xf32>
    %add3A_461 = arith.constant 1.000000e+00 : f32
    %add3A_462 = vector.broadcast %add3A_461 : f32 to vector<16xf32>
    %add3A_463 = arith.addf %add3A_462, %exp3A_460 : vector<16xf32>
    %div3A_464 = arith.constant 1.000000e+00 : f32
    %div3A_465 = vector.broadcast %div3A_464 : f32 to vector<16xf32>
    %div3A_466 = arith.divf %div3A_465, %add3A_463 : vector<16xf32>
    %mul3A_467 = arith.mulf %exp3A_460, %div3A_466 : vector<16xf32>
    %broadcast_in_dim3A_468 = arith.constant 0.000000e+00 : f32
    %broadcast_in_dim3A_469 = vector.broadcast %broadcast_in_dim3A_468 : f32 to vector<16xf32>
    %eq3A_470 = arith.constant 0 : i32
    %eq3A_471 = vector.broadcast %eq3A_470 : i32 to vector<16xi32>
    %eq3A_472 = arith.cmpi eq, %select_n3A_341, %eq3A_471 : vector<16xi32>
    %select_n3A_473 = arith.select %eq3A_472, %div3A_466, %broadcast_in_dim3A_469 : vector<16xi1>, vector<16xf32>
    %eq3A_474 = arith.constant 0 : i32
    %eq3A_475 = vector.broadcast %eq3A_474 : i32 to vector<16xi32>
    %eq3A_476 = arith.cmpi eq, %select_n3A_457, %eq3A_475 : vector<16xi32>
    %select_n3A_477 = arith.select %eq3A_476, %mul3A_467, %broadcast_in_dim3A_469 : vector<16xi1>, vector<16xf32>
    %add3A_478 = arith.addf %select_n3A_473, %select_n3A_477 : vector<16xf32>
    %swap3A_479 = arith.constant 16 : index
    %swap3A_480 = tpu.vector_load %arg5[%swap3A_479] {strides = array<i32>} : memref<512xf32, #tpu.memory_space<vmem>>, vector<16xf32>,
    %swap3A_481 = vector.shape_cast %swap3A_480 : vector<16xf32> to vector<16xf32>
    %swap3A_482 = vector.shape_cast %add3A_478 : vector<16xf32> to vector<16xf32>
    tpu.vector_store %arg5[%swap3A_479], %swap3A_482 {strides = array<i32>} : memref<512xf32, #tpu.memory_space<vmem>>, vector<16xf32>,
    %eq3A_483 = arith.constant 1 : i32
    %eq3A_484 = vector.broadcast %eq3A_483 : i32 to vector<16xi32>
    %eq3A_485 = arith.cmpi eq, %select_n3A_341, %eq3A_484 : vector<16xi32>
    %select_n3A_486 = arith.select %eq3A_485, %div3A_466, %broadcast_in_dim3A_469 : vector<16xi1>, vector<16xf32>
    %eq3A_487 = arith.constant 1 : i32
    %eq3A_488 = vector.broadcast %eq3A_487 : i32 to vector<16xi32>
    %eq3A_489 = arith.cmpi eq, %select_n3A_457, %eq3A_488 : vector<16xi32>
    %select_n3A_490 = arith.select %eq3A_489, %mul3A_467, %broadcast_in_dim3A_469 : vector<16xi1>, vector<16xf32>
    %add3A_491 = arith.addf %select_n3A_486, %select_n3A_490 : vector<16xf32>
    %swap3A_492 = arith.constant 80 : index
    %swap3A_493 = tpu.vector_load %arg5[%swap3A_492] {strides = array<i32>} : memref<512xf32, #tpu.memory_space<vmem>>, vector<16xf32>,
    %swap3A_494 = vector.shape_cast %swap3A_493 : vector<16xf32> to vector<16xf32>
    %swap3A_495 = vector.shape_cast %add3A_491 : vector<16xf32> to vector<16xf32>
    tpu.vector_store %arg5[%swap3A_492], %swap3A_495 {strides = array<i32>} : memref<512xf32, #tpu.memory_space<vmem>>, vector<16xf32>,
    %eq3A_496 = arith.constant 2 : i32
    %eq3A_497 = vector.broadcast %eq3A_496 : i32 to vector<16xi32>
    %eq3A_498 = arith.cmpi eq, %select_n3A_341, %eq3A_497 : vector<16xi32>
    %select_n3A_499 = arith.select %eq3A_498, %div3A_466, %broadcast_in_dim3A_469 : vector<16xi1>, vector<16xf32>
    %eq3A_500 = arith.constant 2 : i32
    %eq3A_501 = vector.broadcast %eq3A_500 : i32 to vector<16xi32>
    %eq3A_502 = arith.cmpi eq, %select_n3A_457, %eq3A_501 : vector<16xi32>
    %select_n3A_503 = arith.select %eq3A_502, %mul3A_467, %broadcast_in_dim3A_469 : vector<16xi1>, vector<16xf32>
    %add3A_504 = arith.addf %select_n3A_499, %select_n3A_503 : vector<16xf32>
    %swap3A_505 = arith.constant 144 : index
    %swap3A_506 = tpu.vector_load %arg5[%swap3A_505] {strides = array<i32>} : memref<512xf32, #tpu.memory_space<vmem>>, vector<16xf32>,
    %swap3A_507 = vector.shape_cast %swap3A_506 : vector<16xf32> to vector<16xf32>
    %swap3A_508 = vector.shape_cast %add3A_504 : vector<16xf32> to vector<16xf32>
    tpu.vector_store %arg5[%swap3A_505], %swap3A_508 {strides = array<i32>} : memref<512xf32, #tpu.memory_space<vmem>>, vector<16xf32>,
    %eq3A_509 = arith.constant 3 : i32
    %eq3A_510 = vector.broadcast %eq3A_509 : i32 to vector<16xi32>
    %eq3A_511 = arith.cmpi eq, %select_n3A_341, %eq3A_510 : vector<16xi32>
    %select_n3A_512 = arith.select %eq3A_511, %div3A_466, %broadcast_in_dim3A_469 : vector<16xi1>, vector<16xf32>
    %eq3A_513 = arith.constant 3 : i32
    %eq3A_514 = vector.broadcast %eq3A_513 : i32 to vector<16xi32>
    %eq3A_515 = arith.cmpi eq, %select_n3A_457, %eq3A_514 : vector<16xi32>
    %select_n3A_516 = arith.select %eq3A_515, %mul3A_467, %broadcast_in_dim3A_469 : vector<16xi1>, vector<16xf32>
    %add3A_517 = arith.addf %select_n3A_512, %select_n3A_516 : vector<16xf32>
    %swap3A_518 = arith.constant 208 : index
    %swap3A_519 = tpu.vector_load %arg5[%swap3A_518] {strides = array<i32>} : memref<512xf32, #tpu.memory_space<vmem>>, vector<16xf32>,
    %swap3A_520 = vector.shape_cast %swap3A_519 : vector<16xf32> to vector<16xf32>
    %swap3A_521 = vector.shape_cast %add3A_517 : vector<16xf32> to vector<16xf32>
    tpu.vector_store %arg5[%swap3A_518], %swap3A_521 {strides = array<i32>} : memref<512xf32, #tpu.memory_space<vmem>>, vector<16xf32>,
    %eq3A_522 = arith.constant 4 : i32
    %eq3A_523 = vector.broadcast %eq3A_522 : i32 to vector<16xi32>
    %eq3A_524 = arith.cmpi eq, %select_n3A_341, %eq3A_523 : vector<16xi32>
    %select_n3A_525 = arith.select %eq3A_524, %div3A_466, %broadcast_in_dim3A_469 : vector<16xi1>, vector<16xf32>
    %eq3A_526 = arith.constant 4 : i32
    %eq3A_527 = vector.broadcast %eq3A_526 : i32 to vector<16xi32>
    %eq3A_528 = arith.cmpi eq, %select_n3A_457, %eq3A_527 : vector<16xi32>
    %select_n3A_529 = arith.select %eq3A_528, %mul3A_467, %broadcast_in_dim3A_469 : vector<16xi1>, vector<16xf32>
    %add3A_530 = arith.addf %select_n3A_525, %select_n3A_529 : vector<16xf32>
    %swap3A_531 = arith.constant 272 : index
    %swap3A_532 = tpu.vector_load %arg5[%swap3A_531] {strides = array<i32>} : memref<512xf32, #tpu.memory_space<vmem>>, vector<16xf32>,
    %swap3A_533 = vector.shape_cast %swap3A_532 : vector<16xf32> to vector<16xf32>
    %swap3A_534 = vector.shape_cast %add3A_530 : vector<16xf32> to vector<16xf32>
    tpu.vector_store %arg5[%swap3A_531], %swap3A_534 {strides = array<i32>} : memref<512xf32, #tpu.memory_space<vmem>>, vector<16xf32>,
    %eq3A_535 = arith.constant 5 : i32
    %eq3A_536 = vector.broadcast %eq3A_535 : i32 to vector<16xi32>
    %eq3A_537 = arith.cmpi eq, %select_n3A_341, %eq3A_536 : vector<16xi32>
    %select_n3A_538 = arith.select %eq3A_537, %div3A_466, %broadcast_in_dim3A_469 : vector<16xi1>, vector<16xf32>
    %eq3A_539 = arith.constant 5 : i32
    %eq3A_540 = vector.broadcast %eq3A_539 : i32 to vector<16xi32>
    %eq3A_541 = arith.cmpi eq, %select_n3A_457, %eq3A_540 : vector<16xi32>
    %select_n3A_542 = arith.select %eq3A_541, %mul3A_467, %broadcast_in_dim3A_469 : vector<16xi1>, vector<16xf32>
    %add3A_543 = arith.addf %select_n3A_538, %select_n3A_542 : vector<16xf32>
    %swap3A_544 = arith.constant 336 : index
    %swap3A_545 = tpu.vector_load %arg5[%swap3A_544] {strides = array<i32>} : memref<512xf32, #tpu.memory_space<vmem>>, vector<16xf32>,
    %swap3A_546 = vector.shape_cast %swap3A_545 : vector<16xf32> to vector<16xf32>
    %swap3A_547 = vector.shape_cast %add3A_543 : vector<16xf32> to vector<16xf32>
    tpu.vector_store %arg5[%swap3A_544], %swap3A_547 {strides = array<i32>} : memref<512xf32, #tpu.memory_space<vmem>>, vector<16xf32>,
    %eq3A_548 = arith.constant 6 : i32
    %eq3A_549 = vector.broadcast %eq3A_548 : i32 to vector<16xi32>
    %eq3A_550 = arith.cmpi eq, %select_n3A_341, %eq3A_549 : vector<16xi32>
    %select_n3A_551 = arith.select %eq3A_550, %div3A_466, %broadcast_in_dim3A_469 : vector<16xi1>, vector<16xf32>
    %eq3A_552 = arith.constant 6 : i32
    %eq3A_553 = vector.broadcast %eq3A_552 : i32 to vector<16xi32>
    %eq3A_554 = arith.cmpi eq, %select_n3A_457, %eq3A_553 : vector<16xi32>
    %select_n3A_555 = arith.select %eq3A_554, %mul3A_467, %broadcast_in_dim3A_469 : vector<16xi1>, vector<16xf32>
    %add3A_556 = arith.addf %select_n3A_551, %select_n3A_555 : vector<16xf32>
    %swap3A_557 = arith.constant 400 : index
    %swap3A_558 = tpu.vector_load %arg5[%swap3A_557] {strides = array<i32>} : memref<512xf32, #tpu.memory_space<vmem>>, vector<16xf32>,
    %swap3A_559 = vector.shape_cast %swap3A_558 : vector<16xf32> to vector<16xf32>
    %swap3A_560 = vector.shape_cast %add3A_556 : vector<16xf32> to vector<16xf32>
    tpu.vector_store %arg5[%swap3A_557], %swap3A_560 {strides = array<i32>} : memref<512xf32, #tpu.memory_space<vmem>>, vector<16xf32>,
    %eq3A_561 = arith.constant 7 : i32
    %eq3A_562 = vector.broadcast %eq3A_561 : i32 to vector<16xi32>
    %eq3A_563 = arith.cmpi eq, %select_n3A_341, %eq3A_562 : vector<16xi32>
    %select_n3A_564 = arith.select %eq3A_563, %div3A_466, %broadcast_in_dim3A_469 : vector<16xi1>, vector<16xf32>
    %eq3A_565 = arith.constant 7 : i32
    %eq3A_566 = vector.broadcast %eq3A_565 : i32 to vector<16xi32>
    %eq3A_567 = arith.cmpi eq, %select_n3A_457, %eq3A_566 : vector<16xi32>
    %select_n3A_568 = arith.select %eq3A_567, %mul3A_467, %broadcast_in_dim3A_469 : vector<16xi1>, vector<16xf32>
    %add3A_569 = arith.addf %select_n3A_564, %select_n3A_568 : vector<16xf32>
    %swap3A_570 = arith.constant 464 : index
    %swap3A_571 = tpu.vector_load %arg5[%swap3A_570] {strides = array<i32>} : memref<512xf32, #tpu.memory_space<vmem>>, vector<16xf32>,
    %swap3A_572 = vector.shape_cast %swap3A_571 : vector<16xf32> to vector<16xf32>
    %swap3A_573 = vector.shape_cast %add3A_569 : vector<16xf32> to vector<16xf32>
    tpu.vector_store %arg5[%swap3A_570], %swap3A_573 {strides = array<i32>} : memref<512xf32, #tpu.memory_space<vmem>>, vector<16xf32>,
    %get3A_574 = arith.constant 32 : index
    %get3A_575 = tpu.vector_load %arg4[%get3A_574] {strides = array<i32>} : memref<512xf32, #tpu.memory_space<vmem>>, vector<16xf32>,
    %get3A_576 = vector.shape_cast %get3A_575 : vector<16xf32> to vector<16xf32>
    %broadcast_in_dim3A_577 = arith.constant 0 : i32
    %broadcast_in_dim3A_578 = vector.broadcast %broadcast_in_dim3A_577 : i32 to vector<16xi32>
    %get3A_579 = arith.constant 96 : index
    %get3A_580 = tpu.vector_load %arg4[%get3A_579] {strides = array<i32>} : memref<512xf32, #tpu.memory_space<vmem>>, vector<16xf32>,
    %get3A_581 = vector.shape_cast %get3A_580 : vector<16xf32> to vector<16xf32>
    %gt3A_582 = arith.cmpf ogt, %get3A_581, %get3A_576 : vector<16xf32>
    %jit3A_583 = arith.constant 1 : i32
    %broadcast_in_dim3A_584 = vector.broadcast %jit3A_583 : i32 to vector<16xi32>
    %select_n3A_585 = arith.select %gt3A_582, %broadcast_in_dim3A_584, %broadcast_in_dim3A_578 : vector<16xi1>, vector<16xi32>
    %max3A_586 = arith.maximumf %get3A_576, %get3A_581 : vector<16xf32>
    %get3A_587 = arith.constant 160 : index
    %get3A_588 = tpu.vector_load %arg4[%get3A_587] {strides = array<i32>} : memref<512xf32, #tpu.memory_space<vmem>>, vector<16xf32>,
    %get3A_589 = vector.shape_cast %get3A_588 : vector<16xf32> to vector<16xf32>
    %gt3A_590 = arith.cmpf ogt, %get3A_589, %max3A_586 : vector<16xf32>
    %jit3A_591 = arith.constant 2 : i32
    %broadcast_in_dim3A_592 = vector.broadcast %jit3A_591 : i32 to vector<16xi32>
    %select_n3A_593 = arith.select %gt3A_590, %broadcast_in_dim3A_592, %select_n3A_585 : vector<16xi1>, vector<16xi32>
    %max3A_594 = arith.maximumf %max3A_586, %get3A_589 : vector<16xf32>
    %get3A_595 = arith.constant 224 : index
    %get3A_596 = tpu.vector_load %arg4[%get3A_595] {strides = array<i32>} : memref<512xf32, #tpu.memory_space<vmem>>, vector<16xf32>,
    %get3A_597 = vector.shape_cast %get3A_596 : vector<16xf32> to vector<16xf32>
    %gt3A_598 = arith.cmpf ogt, %get3A_597, %max3A_594 : vector<16xf32>
    %jit3A_599 = arith.constant 3 : i32
    %broadcast_in_dim3A_600 = vector.broadcast %jit3A_599 : i32 to vector<16xi32>
    %select_n3A_601 = arith.select %gt3A_598, %broadcast_in_dim3A_600, %select_n3A_593 : vector<16xi1>, vector<16xi32>
    %max3A_602 = arith.maximumf %max3A_594, %get3A_597 : vector<16xf32>
    %get3A_603 = arith.constant 288 : index
    %get3A_604 = tpu.vector_load %arg4[%get3A_603] {strides = array<i32>} : memref<512xf32, #tpu.memory_space<vmem>>, vector<16xf32>,
    %get3A_605 = vector.shape_cast %get3A_604 : vector<16xf32> to vector<16xf32>
    %gt3A_606 = arith.cmpf ogt, %get3A_605, %max3A_602 : vector<16xf32>
    %jit3A_607 = arith.constant 4 : i32
    %broadcast_in_dim3A_608 = vector.broadcast %jit3A_607 : i32 to vector<16xi32>
    %select_n3A_609 = arith.select %gt3A_606, %broadcast_in_dim3A_608, %select_n3A_601 : vector<16xi1>, vector<16xi32>
    %max3A_610 = arith.maximumf %max3A_602, %get3A_605 : vector<16xf32>
    %get3A_611 = arith.constant 352 : index
    %get3A_612 = tpu.vector_load %arg4[%get3A_611] {strides = array<i32>} : memref<512xf32, #tpu.memory_space<vmem>>, vector<16xf32>,
    %get3A_613 = vector.shape_cast %get3A_612 : vector<16xf32> to vector<16xf32>
    %gt3A_614 = arith.cmpf ogt, %get3A_613, %max3A_610 : vector<16xf32>
    %jit3A_615 = arith.constant 5 : i32
    %broadcast_in_dim3A_616 = vector.broadcast %jit3A_615 : i32 to vector<16xi32>
    %select_n3A_617 = arith.select %gt3A_614, %broadcast_in_dim3A_616, %select_n3A_609 : vector<16xi1>, vector<16xi32>
    %max3A_618 = arith.maximumf %max3A_610, %get3A_613 : vector<16xf32>
    %get3A_619 = arith.constant 416 : index
    %get3A_620 = tpu.vector_load %arg4[%get3A_619] {strides = array<i32>} : memref<512xf32, #tpu.memory_space<vmem>>, vector<16xf32>,
    %get3A_621 = vector.shape_cast %get3A_620 : vector<16xf32> to vector<16xf32>
    %gt3A_622 = arith.cmpf ogt, %get3A_621, %max3A_618 : vector<16xf32>
    %jit3A_623 = arith.constant 6 : i32
    %broadcast_in_dim3A_624 = vector.broadcast %jit3A_623 : i32 to vector<16xi32>
    %select_n3A_625 = arith.select %gt3A_622, %broadcast_in_dim3A_624, %select_n3A_617 : vector<16xi1>, vector<16xi32>
    %max3A_626 = arith.maximumf %max3A_618, %get3A_621 : vector<16xf32>
    %get3A_627 = arith.constant 480 : index
    %get3A_628 = tpu.vector_load %arg4[%get3A_627] {strides = array<i32>} : memref<512xf32, #tpu.memory_space<vmem>>, vector<16xf32>,
    %get3A_629 = vector.shape_cast %get3A_628 : vector<16xf32> to vector<16xf32>
    %gt3A_630 = arith.cmpf ogt, %get3A_629, %max3A_626 : vector<16xf32>
    %jit3A_631 = arith.constant 7 : i32
    %broadcast_in_dim3A_632 = vector.broadcast %jit3A_631 : i32 to vector<16xi32>
    %select_n3A_633 = arith.select %gt3A_630, %broadcast_in_dim3A_632, %select_n3A_625 : vector<16xi1>, vector<16xi32>
    %max3A_634 = arith.maximumf %max3A_626, %get3A_629 : vector<16xf32>
    %broadcast_in_dim3A_635 = arith.constant 0xFF800000 : f32
    %broadcast_in_dim3A_636 = vector.broadcast %broadcast_in_dim3A_635 : f32 to vector<16xf32>
    %broadcast_in_dim3A_637 = arith.constant 0 : i32
    %broadcast_in_dim3A_638 = vector.broadcast %broadcast_in_dim3A_637 : i32 to vector<16xi32>
    %get3A_639 = arith.constant 32 : index
    %get3A_640 = tpu.vector_load %arg4[%get3A_639] {strides = array<i32>} : memref<512xf32, #tpu.memory_space<vmem>>, vector<16xf32>,
    %get3A_641 = vector.shape_cast %get3A_640 : vector<16xf32> to vector<16xf32>
    %eq3A_642 = arith.constant 0 : i32
    %eq3A_643 = vector.broadcast %eq3A_642 : i32 to vector<16xi32>
    %eq3A_644 = arith.cmpi eq, %select_n3A_633, %eq3A_643 : vector<16xi32>
    %jit3A_645 = arith.constant 0xFF800000 : f32
    %broadcast_in_dim3A_646 = vector.broadcast %jit3A_645 : f32 to vector<16xf32>
    %select_n3A_647 = arith.select %eq3A_644, %broadcast_in_dim3A_646, %get3A_641 : vector<16xi1>, vector<16xf32>
    %gt3A_648 = arith.cmpf ogt, %select_n3A_647, %broadcast_in_dim3A_636 : vector<16xf32>
    %jit3A_649 = arith.constant 0 : i32
    %broadcast_in_dim3A_650 = vector.broadcast %jit3A_649 : i32 to vector<16xi32>
    %select_n3A_651 = arith.select %gt3A_648, %broadcast_in_dim3A_650, %broadcast_in_dim3A_638 : vector<16xi1>, vector<16xi32>
    %max3A_652 = arith.maximumf %broadcast_in_dim3A_636, %select_n3A_647 : vector<16xf32>
    %get3A_653 = arith.constant 96 : index
    %get3A_654 = tpu.vector_load %arg4[%get3A_653] {strides = array<i32>} : memref<512xf32, #tpu.memory_space<vmem>>, vector<16xf32>,
    %get3A_655 = vector.shape_cast %get3A_654 : vector<16xf32> to vector<16xf32>
    %eq3A_656 = arith.constant 1 : i32
    %eq3A_657 = vector.broadcast %eq3A_656 : i32 to vector<16xi32>
    %eq3A_658 = arith.cmpi eq, %select_n3A_633, %eq3A_657 : vector<16xi32>
    %jit3A_659 = arith.constant 0xFF800000 : f32
    %broadcast_in_dim3A_660 = vector.broadcast %jit3A_659 : f32 to vector<16xf32>
    %select_n3A_661 = arith.select %eq3A_658, %broadcast_in_dim3A_660, %get3A_655 : vector<16xi1>, vector<16xf32>
    %gt3A_662 = arith.cmpf ogt, %select_n3A_661, %max3A_652 : vector<16xf32>
    %jit3A_663 = arith.constant 1 : i32
    %broadcast_in_dim3A_664 = vector.broadcast %jit3A_663 : i32 to vector<16xi32>
    %select_n3A_665 = arith.select %gt3A_662, %broadcast_in_dim3A_664, %select_n3A_651 : vector<16xi1>, vector<16xi32>
    %max3A_666 = arith.maximumf %max3A_652, %select_n3A_661 : vector<16xf32>
    %get3A_667 = arith.constant 160 : index
    %get3A_668 = tpu.vector_load %arg4[%get3A_667] {strides = array<i32>} : memref<512xf32, #tpu.memory_space<vmem>>, vector<16xf32>,
    %get3A_669 = vector.shape_cast %get3A_668 : vector<16xf32> to vector<16xf32>
    %eq3A_670 = arith.constant 2 : i32
    %eq3A_671 = vector.broadcast %eq3A_670 : i32 to vector<16xi32>
    %eq3A_672 = arith.cmpi eq, %select_n3A_633, %eq3A_671 : vector<16xi32>
    %jit3A_673 = arith.constant 0xFF800000 : f32
    %broadcast_in_dim3A_674 = vector.broadcast %jit3A_673 : f32 to vector<16xf32>
    %select_n3A_675 = arith.select %eq3A_672, %broadcast_in_dim3A_674, %get3A_669 : vector<16xi1>, vector<16xf32>
    %gt3A_676 = arith.cmpf ogt, %select_n3A_675, %max3A_666 : vector<16xf32>
    %jit3A_677 = arith.constant 2 : i32
    %broadcast_in_dim3A_678 = vector.broadcast %jit3A_677 : i32 to vector<16xi32>
    %select_n3A_679 = arith.select %gt3A_676, %broadcast_in_dim3A_678, %select_n3A_665 : vector<16xi1>, vector<16xi32>
    %max3A_680 = arith.maximumf %max3A_666, %select_n3A_675 : vector<16xf32>
    %get3A_681 = arith.constant 224 : index
    %get3A_682 = tpu.vector_load %arg4[%get3A_681] {strides = array<i32>} : memref<512xf32, #tpu.memory_space<vmem>>, vector<16xf32>,
    %get3A_683 = vector.shape_cast %get3A_682 : vector<16xf32> to vector<16xf32>
    %eq3A_684 = arith.constant 3 : i32
    %eq3A_685 = vector.broadcast %eq3A_684 : i32 to vector<16xi32>
    %eq3A_686 = arith.cmpi eq, %select_n3A_633, %eq3A_685 : vector<16xi32>
    %jit3A_687 = arith.constant 0xFF800000 : f32
    %broadcast_in_dim3A_688 = vector.broadcast %jit3A_687 : f32 to vector<16xf32>
    %select_n3A_689 = arith.select %eq3A_686, %broadcast_in_dim3A_688, %get3A_683 : vector<16xi1>, vector<16xf32>
    %gt3A_690 = arith.cmpf ogt, %select_n3A_689, %max3A_680 : vector<16xf32>
    %jit3A_691 = arith.constant 3 : i32
    %broadcast_in_dim3A_692 = vector.broadcast %jit3A_691 : i32 to vector<16xi32>
    %select_n3A_693 = arith.select %gt3A_690, %broadcast_in_dim3A_692, %select_n3A_679 : vector<16xi1>, vector<16xi32>
    %max3A_694 = arith.maximumf %max3A_680, %select_n3A_689 : vector<16xf32>
    %get3A_695 = arith.constant 288 : index
    %get3A_696 = tpu.vector_load %arg4[%get3A_695] {strides = array<i32>} : memref<512xf32, #tpu.memory_space<vmem>>, vector<16xf32>,
    %get3A_697 = vector.shape_cast %get3A_696 : vector<16xf32> to vector<16xf32>
    %eq3A_698 = arith.constant 4 : i32
    %eq3A_699 = vector.broadcast %eq3A_698 : i32 to vector<16xi32>
    %eq3A_700 = arith.cmpi eq, %select_n3A_633, %eq3A_699 : vector<16xi32>
    %jit3A_701 = arith.constant 0xFF800000 : f32
    %broadcast_in_dim3A_702 = vector.broadcast %jit3A_701 : f32 to vector<16xf32>
    %select_n3A_703 = arith.select %eq3A_700, %broadcast_in_dim3A_702, %get3A_697 : vector<16xi1>, vector<16xf32>
    %gt3A_704 = arith.cmpf ogt, %select_n3A_703, %max3A_694 : vector<16xf32>
    %jit3A_705 = arith.constant 4 : i32
    %broadcast_in_dim3A_706 = vector.broadcast %jit3A_705 : i32 to vector<16xi32>
    %select_n3A_707 = arith.select %gt3A_704, %broadcast_in_dim3A_706, %select_n3A_693 : vector<16xi1>, vector<16xi32>
    %max3A_708 = arith.maximumf %max3A_694, %select_n3A_703 : vector<16xf32>
    %get3A_709 = arith.constant 352 : index
    %get3A_710 = tpu.vector_load %arg4[%get3A_709] {strides = array<i32>} : memref<512xf32, #tpu.memory_space<vmem>>, vector<16xf32>,
    %get3A_711 = vector.shape_cast %get3A_710 : vector<16xf32> to vector<16xf32>
    %eq3A_712 = arith.constant 5 : i32
    %eq3A_713 = vector.broadcast %eq3A_712 : i32 to vector<16xi32>
    %eq3A_714 = arith.cmpi eq, %select_n3A_633, %eq3A_713 : vector<16xi32>
    %jit3A_715 = arith.constant 0xFF800000 : f32
    %broadcast_in_dim3A_716 = vector.broadcast %jit3A_715 : f32 to vector<16xf32>
    %select_n3A_717 = arith.select %eq3A_714, %broadcast_in_dim3A_716, %get3A_711 : vector<16xi1>, vector<16xf32>
    %gt3A_718 = arith.cmpf ogt, %select_n3A_717, %max3A_708 : vector<16xf32>
    %jit3A_719 = arith.constant 5 : i32
    %broadcast_in_dim3A_720 = vector.broadcast %jit3A_719 : i32 to vector<16xi32>
    %select_n3A_721 = arith.select %gt3A_718, %broadcast_in_dim3A_720, %select_n3A_707 : vector<16xi1>, vector<16xi32>
    %max3A_722 = arith.maximumf %max3A_708, %select_n3A_717 : vector<16xf32>
    %get3A_723 = arith.constant 416 : index
    %get3A_724 = tpu.vector_load %arg4[%get3A_723] {strides = array<i32>} : memref<512xf32, #tpu.memory_space<vmem>>, vector<16xf32>,
    %get3A_725 = vector.shape_cast %get3A_724 : vector<16xf32> to vector<16xf32>
    %eq3A_726 = arith.constant 6 : i32
    %eq3A_727 = vector.broadcast %eq3A_726 : i32 to vector<16xi32>
    %eq3A_728 = arith.cmpi eq, %select_n3A_633, %eq3A_727 : vector<16xi32>
    %jit3A_729 = arith.constant 0xFF800000 : f32
    %broadcast_in_dim3A_730 = vector.broadcast %jit3A_729 : f32 to vector<16xf32>
    %select_n3A_731 = arith.select %eq3A_728, %broadcast_in_dim3A_730, %get3A_725 : vector<16xi1>, vector<16xf32>
    %gt3A_732 = arith.cmpf ogt, %select_n3A_731, %max3A_722 : vector<16xf32>
    %jit3A_733 = arith.constant 6 : i32
    %broadcast_in_dim3A_734 = vector.broadcast %jit3A_733 : i32 to vector<16xi32>
    %select_n3A_735 = arith.select %gt3A_732, %broadcast_in_dim3A_734, %select_n3A_721 : vector<16xi1>, vector<16xi32>
    %max3A_736 = arith.maximumf %max3A_722, %select_n3A_731 : vector<16xf32>
    %get3A_737 = arith.constant 480 : index
    %get3A_738 = tpu.vector_load %arg4[%get3A_737] {strides = array<i32>} : memref<512xf32, #tpu.memory_space<vmem>>, vector<16xf32>,
    %get3A_739 = vector.shape_cast %get3A_738 : vector<16xf32> to vector<16xf32>
    %eq3A_740 = arith.constant 7 : i32
    %eq3A_741 = vector.broadcast %eq3A_740 : i32 to vector<16xi32>
    %eq3A_742 = arith.cmpi eq, %select_n3A_633, %eq3A_741 : vector<16xi32>
    %jit3A_743 = arith.constant 0xFF800000 : f32
    %broadcast_in_dim3A_744 = vector.broadcast %jit3A_743 : f32 to vector<16xf32>
    %select_n3A_745 = arith.select %eq3A_742, %broadcast_in_dim3A_744, %get3A_739 : vector<16xi1>, vector<16xf32>
    %gt3A_746 = arith.cmpf ogt, %select_n3A_745, %max3A_736 : vector<16xf32>
    %jit3A_747 = arith.constant 7 : i32
    %broadcast_in_dim3A_748 = vector.broadcast %jit3A_747 : i32 to vector<16xi32>
    %select_n3A_749 = arith.select %gt3A_746, %broadcast_in_dim3A_748, %select_n3A_735 : vector<16xi1>, vector<16xi32>
    %max3A_750 = arith.maximumf %max3A_736, %select_n3A_745 : vector<16xf32>
    %sub3A_751 = arith.subf %max3A_750, %max3A_634 : vector<16xf32>
    %exp3A_752 = math.exp %sub3A_751 : vector<16xf32>
    %add3A_753 = arith.constant 1.000000e+00 : f32
    %add3A_754 = vector.broadcast %add3A_753 : f32 to vector<16xf32>
    %add3A_755 = arith.addf %add3A_754, %exp3A_752 : vector<16xf32>
    %div3A_756 = arith.constant 1.000000e+00 : f32
    %div3A_757 = vector.broadcast %div3A_756 : f32 to vector<16xf32>
    %div3A_758 = arith.divf %div3A_757, %add3A_755 : vector<16xf32>
    %mul3A_759 = arith.mulf %exp3A_752, %div3A_758 : vector<16xf32>
    %broadcast_in_dim3A_760 = arith.constant 0.000000e+00 : f32
    %broadcast_in_dim3A_761 = vector.broadcast %broadcast_in_dim3A_760 : f32 to vector<16xf32>
    %eq3A_762 = arith.constant 0 : i32
    %eq3A_763 = vector.broadcast %eq3A_762 : i32 to vector<16xi32>
    %eq3A_764 = arith.cmpi eq, %select_n3A_633, %eq3A_763 : vector<16xi32>
    %select_n3A_765 = arith.select %eq3A_764, %div3A_758, %broadcast_in_dim3A_761 : vector<16xi1>, vector<16xf32>
    %eq3A_766 = arith.constant 0 : i32
    %eq3A_767 = vector.broadcast %eq3A_766 : i32 to vector<16xi32>
    %eq3A_768 = arith.cmpi eq, %select_n3A_749, %eq3A_767 : vector<16xi32>
    %select_n3A_769 = arith.select %eq3A_768, %mul3A_759, %broadcast_in_dim3A_761 : vector<16xi1>, vector<16xf32>
    %add3A_770 = arith.addf %select_n3A_765, %select_n3A_769 : vector<16xf32>
    %swap3A_771 = arith.constant 32 : index
    %swap3A_772 = tpu.vector_load %arg5[%swap3A_771] {strides = array<i32>} : memref<512xf32, #tpu.memory_space<vmem>>, vector<16xf32>,
    %swap3A_773 = vector.shape_cast %swap3A_772 : vector<16xf32> to vector<16xf32>
    %swap3A_774 = vector.shape_cast %add3A_770 : vector<16xf32> to vector<16xf32>
    tpu.vector_store %arg5[%swap3A_771], %swap3A_774 {strides = array<i32>} : memref<512xf32, #tpu.memory_space<vmem>>, vector<16xf32>,
    %eq3A_775 = arith.constant 1 : i32
    %eq3A_776 = vector.broadcast %eq3A_775 : i32 to vector<16xi32>
    %eq3A_777 = arith.cmpi eq, %select_n3A_633, %eq3A_776 : vector<16xi32>
    %select_n3A_778 = arith.select %eq3A_777, %div3A_758, %broadcast_in_dim3A_761 : vector<16xi1>, vector<16xf32>
    %eq3A_779 = arith.constant 1 : i32
    %eq3A_780 = vector.broadcast %eq3A_779 : i32 to vector<16xi32>
    %eq3A_781 = arith.cmpi eq, %select_n3A_749, %eq3A_780 : vector<16xi32>
    %select_n3A_782 = arith.select %eq3A_781, %mul3A_759, %broadcast_in_dim3A_761 : vector<16xi1>, vector<16xf32>
    %add3A_783 = arith.addf %select_n3A_778, %select_n3A_782 : vector<16xf32>
    %swap3A_784 = arith.constant 96 : index
    %swap3A_785 = tpu.vector_load %arg5[%swap3A_784] {strides = array<i32>} : memref<512xf32, #tpu.memory_space<vmem>>, vector<16xf32>,
    %swap3A_786 = vector.shape_cast %swap3A_785 : vector<16xf32> to vector<16xf32>
    %swap3A_787 = vector.shape_cast %add3A_783 : vector<16xf32> to vector<16xf32>
    tpu.vector_store %arg5[%swap3A_784], %swap3A_787 {strides = array<i32>} : memref<512xf32, #tpu.memory_space<vmem>>, vector<16xf32>,
    %eq3A_788 = arith.constant 2 : i32
    %eq3A_789 = vector.broadcast %eq3A_788 : i32 to vector<16xi32>
    %eq3A_790 = arith.cmpi eq, %select_n3A_633, %eq3A_789 : vector<16xi32>
    %select_n3A_791 = arith.select %eq3A_790, %div3A_758, %broadcast_in_dim3A_761 : vector<16xi1>, vector<16xf32>
    %eq3A_792 = arith.constant 2 : i32
    %eq3A_793 = vector.broadcast %eq3A_792 : i32 to vector<16xi32>
    %eq3A_794 = arith.cmpi eq, %select_n3A_749, %eq3A_793 : vector<16xi32>
    %select_n3A_795 = arith.select %eq3A_794, %mul3A_759, %broadcast_in_dim3A_761 : vector<16xi1>, vector<16xf32>
    %add3A_796 = arith.addf %select_n3A_791, %select_n3A_795 : vector<16xf32>
    %swap3A_797 = arith.constant 160 : index
    %swap3A_798 = tpu.vector_load %arg5[%swap3A_797] {strides = array<i32>} : memref<512xf32, #tpu.memory_space<vmem>>, vector<16xf32>,
    %swap3A_799 = vector.shape_cast %swap3A_798 : vector<16xf32> to vector<16xf32>
    %swap3A_800 = vector.shape_cast %add3A_796 : vector<16xf32> to vector<16xf32>
    tpu.vector_store %arg5[%swap3A_797], %swap3A_800 {strides = array<i32>} : memref<512xf32, #tpu.memory_space<vmem>>, vector<16xf32>,
    %eq3A_801 = arith.constant 3 : i32
    %eq3A_802 = vector.broadcast %eq3A_801 : i32 to vector<16xi32>
    %eq3A_803 = arith.cmpi eq, %select_n3A_633, %eq3A_802 : vector<16xi32>
    %select_n3A_804 = arith.select %eq3A_803, %div3A_758, %broadcast_in_dim3A_761 : vector<16xi1>, vector<16xf32>
    %eq3A_805 = arith.constant 3 : i32
    %eq3A_806 = vector.broadcast %eq3A_805 : i32 to vector<16xi32>
    %eq3A_807 = arith.cmpi eq, %select_n3A_749, %eq3A_806 : vector<16xi32>
    %select_n3A_808 = arith.select %eq3A_807, %mul3A_759, %broadcast_in_dim3A_761 : vector<16xi1>, vector<16xf32>
    %add3A_809 = arith.addf %select_n3A_804, %select_n3A_808 : vector<16xf32>
    %swap3A_810 = arith.constant 224 : index
    %swap3A_811 = tpu.vector_load %arg5[%swap3A_810] {strides = array<i32>} : memref<512xf32, #tpu.memory_space<vmem>>, vector<16xf32>,
    %swap3A_812 = vector.shape_cast %swap3A_811 : vector<16xf32> to vector<16xf32>
    %swap3A_813 = vector.shape_cast %add3A_809 : vector<16xf32> to vector<16xf32>
    tpu.vector_store %arg5[%swap3A_810], %swap3A_813 {strides = array<i32>} : memref<512xf32, #tpu.memory_space<vmem>>, vector<16xf32>,
    %eq3A_814 = arith.constant 4 : i32
    %eq3A_815 = vector.broadcast %eq3A_814 : i32 to vector<16xi32>
    %eq3A_816 = arith.cmpi eq, %select_n3A_633, %eq3A_815 : vector<16xi32>
    %select_n3A_817 = arith.select %eq3A_816, %div3A_758, %broadcast_in_dim3A_761 : vector<16xi1>, vector<16xf32>
    %eq3A_818 = arith.constant 4 : i32
    %eq3A_819 = vector.broadcast %eq3A_818 : i32 to vector<16xi32>
    %eq3A_820 = arith.cmpi eq, %select_n3A_749, %eq3A_819 : vector<16xi32>
    %select_n3A_821 = arith.select %eq3A_820, %mul3A_759, %broadcast_in_dim3A_761 : vector<16xi1>, vector<16xf32>
    %add3A_822 = arith.addf %select_n3A_817, %select_n3A_821 : vector<16xf32>
    %swap3A_823 = arith.constant 288 : index
    %swap3A_824 = tpu.vector_load %arg5[%swap3A_823] {strides = array<i32>} : memref<512xf32, #tpu.memory_space<vmem>>, vector<16xf32>,
    %swap3A_825 = vector.shape_cast %swap3A_824 : vector<16xf32> to vector<16xf32>
    %swap3A_826 = vector.shape_cast %add3A_822 : vector<16xf32> to vector<16xf32>
    tpu.vector_store %arg5[%swap3A_823], %swap3A_826 {strides = array<i32>} : memref<512xf32, #tpu.memory_space<vmem>>, vector<16xf32>,
    %eq3A_827 = arith.constant 5 : i32
    %eq3A_828 = vector.broadcast %eq3A_827 : i32 to vector<16xi32>
    %eq3A_829 = arith.cmpi eq, %select_n3A_633, %eq3A_828 : vector<16xi32>
    %select_n3A_830 = arith.select %eq3A_829, %div3A_758, %broadcast_in_dim3A_761 : vector<16xi1>, vector<16xf32>
    %eq3A_831 = arith.constant 5 : i32
    %eq3A_832 = vector.broadcast %eq3A_831 : i32 to vector<16xi32>
    %eq3A_833 = arith.cmpi eq, %select_n3A_749, %eq3A_832 : vector<16xi32>
    %select_n3A_834 = arith.select %eq3A_833, %mul3A_759, %broadcast_in_dim3A_761 : vector<16xi1>, vector<16xf32>
    %add3A_835 = arith.addf %select_n3A_830, %select_n3A_834 : vector<16xf32>
    %swap3A_836 = arith.constant 352 : index
    %swap3A_837 = tpu.vector_load %arg5[%swap3A_836] {strides = array<i32>} : memref<512xf32, #tpu.memory_space<vmem>>, vector<16xf32>,
    %swap3A_838 = vector.shape_cast %swap3A_837 : vector<16xf32> to vector<16xf32>
    %swap3A_839 = vector.shape_cast %add3A_835 : vector<16xf32> to vector<16xf32>
    tpu.vector_store %arg5[%swap3A_836], %swap3A_839 {strides = array<i32>} : memref<512xf32, #tpu.memory_space<vmem>>, vector<16xf32>,
    %eq3A_840 = arith.constant 6 : i32
    %eq3A_841 = vector.broadcast %eq3A_840 : i32 to vector<16xi32>
    %eq3A_842 = arith.cmpi eq, %select_n3A_633, %eq3A_841 : vector<16xi32>
    %select_n3A_843 = arith.select %eq3A_842, %div3A_758, %broadcast_in_dim3A_761 : vector<16xi1>, vector<16xf32>
    %eq3A_844 = arith.constant 6 : i32
    %eq3A_845 = vector.broadcast %eq3A_844 : i32 to vector<16xi32>
    %eq3A_846 = arith.cmpi eq, %select_n3A_749, %eq3A_845 : vector<16xi32>
    %select_n3A_847 = arith.select %eq3A_846, %mul3A_759, %broadcast_in_dim3A_761 : vector<16xi1>, vector<16xf32>
    %add3A_848 = arith.addf %select_n3A_843, %select_n3A_847 : vector<16xf32>
    %swap3A_849 = arith.constant 416 : index
    %swap3A_850 = tpu.vector_load %arg5[%swap3A_849] {strides = array<i32>} : memref<512xf32, #tpu.memory_space<vmem>>, vector<16xf32>,
    %swap3A_851 = vector.shape_cast %swap3A_850 : vector<16xf32> to vector<16xf32>
    %swap3A_852 = vector.shape_cast %add3A_848 : vector<16xf32> to vector<16xf32>
    tpu.vector_store %arg5[%swap3A_849], %swap3A_852 {strides = array<i32>} : memref<512xf32, #tpu.memory_space<vmem>>, vector<16xf32>,
    %eq3A_853 = arith.constant 7 : i32
    %eq3A_854 = vector.broadcast %eq3A_853 : i32 to vector<16xi32>
    %eq3A_855 = arith.cmpi eq, %select_n3A_633, %eq3A_854 : vector<16xi32>
    %select_n3A_856 = arith.select %eq3A_855, %div3A_758, %broadcast_in_dim3A_761 : vector<16xi1>, vector<16xf32>
    %eq3A_857 = arith.constant 7 : i32
    %eq3A_858 = vector.broadcast %eq3A_857 : i32 to vector<16xi32>
    %eq3A_859 = arith.cmpi eq, %select_n3A_749, %eq3A_858 : vector<16xi32>
    %select_n3A_860 = arith.select %eq3A_859, %mul3A_759, %broadcast_in_dim3A_761 : vector<16xi1>, vector<16xf32>
    %add3A_861 = arith.addf %select_n3A_856, %select_n3A_860 : vector<16xf32>
    %swap3A_862 = arith.constant 480 : index
    %swap3A_863 = tpu.vector_load %arg5[%swap3A_862] {strides = array<i32>} : memref<512xf32, #tpu.memory_space<vmem>>, vector<16xf32>,
    %swap3A_864 = vector.shape_cast %swap3A_863 : vector<16xf32> to vector<16xf32>
    %swap3A_865 = vector.shape_cast %add3A_861 : vector<16xf32> to vector<16xf32>
    tpu.vector_store %arg5[%swap3A_862], %swap3A_865 {strides = array<i32>} : memref<512xf32, #tpu.memory_space<vmem>>, vector<16xf32>,
    %get3A_866 = arith.constant 48 : index
    %get3A_867 = tpu.vector_load %arg4[%get3A_866] {strides = array<i32>} : memref<512xf32, #tpu.memory_space<vmem>>, vector<16xf32>,
    %get3A_868 = vector.shape_cast %get3A_867 : vector<16xf32> to vector<16xf32>
    %broadcast_in_dim3A_869 = arith.constant 0 : i32
    %broadcast_in_dim3A_870 = vector.broadcast %broadcast_in_dim3A_869 : i32 to vector<16xi32>
    %get3A_871 = arith.constant 112 : index
    %get3A_872 = tpu.vector_load %arg4[%get3A_871] {strides = array<i32>} : memref<512xf32, #tpu.memory_space<vmem>>, vector<16xf32>,
    %get3A_873 = vector.shape_cast %get3A_872 : vector<16xf32> to vector<16xf32>
    %gt3A_874 = arith.cmpf ogt, %get3A_873, %get3A_868 : vector<16xf32>
    %jit3A_875 = arith.constant 1 : i32
    %broadcast_in_dim3A_876 = vector.broadcast %jit3A_875 : i32 to vector<16xi32>
    %select_n3A_877 = arith.select %gt3A_874, %broadcast_in_dim3A_876, %broadcast_in_dim3A_870 : vector<16xi1>, vector<16xi32>
    %max3A_878 = arith.maximumf %get3A_868, %get3A_873 : vector<16xf32>
    %get3A_879 = arith.constant 176 : index
    %get3A_880 = tpu.vector_load %arg4[%get3A_879] {strides = array<i32>} : memref<512xf32, #tpu.memory_space<vmem>>, vector<16xf32>,
    %get3A_881 = vector.shape_cast %get3A_880 : vector<16xf32> to vector<16xf32>
    %gt3A_882 = arith.cmpf ogt, %get3A_881, %max3A_878 : vector<16xf32>
    %jit3A_883 = arith.constant 2 : i32
    %broadcast_in_dim3A_884 = vector.broadcast %jit3A_883 : i32 to vector<16xi32>
    %select_n3A_885 = arith.select %gt3A_882, %broadcast_in_dim3A_884, %select_n3A_877 : vector<16xi1>, vector<16xi32>
    %max3A_886 = arith.maximumf %max3A_878, %get3A_881 : vector<16xf32>
    %get3A_887 = arith.constant 240 : index
    %get3A_888 = tpu.vector_load %arg4[%get3A_887] {strides = array<i32>} : memref<512xf32, #tpu.memory_space<vmem>>, vector<16xf32>,
    %get3A_889 = vector.shape_cast %get3A_888 : vector<16xf32> to vector<16xf32>
    %gt3A_890 = arith.cmpf ogt, %get3A_889, %max3A_886 : vector<16xf32>
    %jit3A_891 = arith.constant 3 : i32
    %broadcast_in_dim3A_892 = vector.broadcast %jit3A_891 : i32 to vector<16xi32>
    %select_n3A_893 = arith.select %gt3A_890, %broadcast_in_dim3A_892, %select_n3A_885 : vector<16xi1>, vector<16xi32>
    %max3A_894 = arith.maximumf %max3A_886, %get3A_889 : vector<16xf32>
    %get3A_895 = arith.constant 304 : index
    %get3A_896 = tpu.vector_load %arg4[%get3A_895] {strides = array<i32>} : memref<512xf32, #tpu.memory_space<vmem>>, vector<16xf32>,
    %get3A_897 = vector.shape_cast %get3A_896 : vector<16xf32> to vector<16xf32>
    %gt3A_898 = arith.cmpf ogt, %get3A_897, %max3A_894 : vector<16xf32>
    %jit3A_899 = arith.constant 4 : i32
    %broadcast_in_dim3A_900 = vector.broadcast %jit3A_899 : i32 to vector<16xi32>
    %select_n3A_901 = arith.select %gt3A_898, %broadcast_in_dim3A_900, %select_n3A_893 : vector<16xi1>, vector<16xi32>
    %max3A_902 = arith.maximumf %max3A_894, %get3A_897 : vector<16xf32>
    %get3A_903 = arith.constant 368 : index
    %get3A_904 = tpu.vector_load %arg4[%get3A_903] {strides = array<i32>} : memref<512xf32, #tpu.memory_space<vmem>>, vector<16xf32>,
    %get3A_905 = vector.shape_cast %get3A_904 : vector<16xf32> to vector<16xf32>
    %gt3A_906 = arith.cmpf ogt, %get3A_905, %max3A_902 : vector<16xf32>
    %jit3A_907 = arith.constant 5 : i32
    %broadcast_in_dim3A_908 = vector.broadcast %jit3A_907 : i32 to vector<16xi32>
    %select_n3A_909 = arith.select %gt3A_906, %broadcast_in_dim3A_908, %select_n3A_901 : vector<16xi1>, vector<16xi32>
    %max3A_910 = arith.maximumf %max3A_902, %get3A_905 : vector<16xf32>
    %get3A_911 = arith.constant 432 : index
    %get3A_912 = tpu.vector_load %arg4[%get3A_911] {strides = array<i32>} : memref<512xf32, #tpu.memory_space<vmem>>, vector<16xf32>,
    %get3A_913 = vector.shape_cast %get3A_912 : vector<16xf32> to vector<16xf32>
    %gt3A_914 = arith.cmpf ogt, %get3A_913, %max3A_910 : vector<16xf32>
    %jit3A_915 = arith.constant 6 : i32
    %broadcast_in_dim3A_916 = vector.broadcast %jit3A_915 : i32 to vector<16xi32>
    %select_n3A_917 = arith.select %gt3A_914, %broadcast_in_dim3A_916, %select_n3A_909 : vector<16xi1>, vector<16xi32>
    %max3A_918 = arith.maximumf %max3A_910, %get3A_913 : vector<16xf32>
    %get3A_919 = arith.constant 496 : index
    %get3A_920 = tpu.vector_load %arg4[%get3A_919] {strides = array<i32>} : memref<512xf32, #tpu.memory_space<vmem>>, vector<16xf32>,
    %get3A_921 = vector.shape_cast %get3A_920 : vector<16xf32> to vector<16xf32>
    %gt3A_922 = arith.cmpf ogt, %get3A_921, %max3A_918 : vector<16xf32>
    %jit3A_923 = arith.constant 7 : i32
    %broadcast_in_dim3A_924 = vector.broadcast %jit3A_923 : i32 to vector<16xi32>
    %select_n3A_925 = arith.select %gt3A_922, %broadcast_in_dim3A_924, %select_n3A_917 : vector<16xi1>, vector<16xi32>
    %max3A_926 = arith.maximumf %max3A_918, %get3A_921 : vector<16xf32>
    %broadcast_in_dim3A_927 = arith.constant 0xFF800000 : f32
    %broadcast_in_dim3A_928 = vector.broadcast %broadcast_in_dim3A_927 : f32 to vector<16xf32>
    %broadcast_in_dim3A_929 = arith.constant 0 : i32
    %broadcast_in_dim3A_930 = vector.broadcast %broadcast_in_dim3A_929 : i32 to vector<16xi32>
    %get3A_931 = arith.constant 48 : index
    %get3A_932 = tpu.vector_load %arg4[%get3A_931] {strides = array<i32>} : memref<512xf32, #tpu.memory_space<vmem>>, vector<16xf32>,
    %get3A_933 = vector.shape_cast %get3A_932 : vector<16xf32> to vector<16xf32>
    %eq3A_934 = arith.constant 0 : i32
    %eq3A_935 = vector.broadcast %eq3A_934 : i32 to vector<16xi32>
    %eq3A_936 = arith.cmpi eq, %select_n3A_925, %eq3A_935 : vector<16xi32>
    %jit3A_937 = arith.constant 0xFF800000 : f32
    %broadcast_in_dim3A_938 = vector.broadcast %jit3A_937 : f32 to vector<16xf32>
    %select_n3A_939 = arith.select %eq3A_936, %broadcast_in_dim3A_938, %get3A_933 : vector<16xi1>, vector<16xf32>
    %gt3A_940 = arith.cmpf ogt, %select_n3A_939, %broadcast_in_dim3A_928 : vector<16xf32>
    %jit3A_941 = arith.constant 0 : i32
    %broadcast_in_dim3A_942 = vector.broadcast %jit3A_941 : i32 to vector<16xi32>
    %select_n3A_943 = arith.select %gt3A_940, %broadcast_in_dim3A_942, %broadcast_in_dim3A_930 : vector<16xi1>, vector<16xi32>
    %max3A_944 = arith.maximumf %broadcast_in_dim3A_928, %select_n3A_939 : vector<16xf32>
    %get3A_945 = arith.constant 112 : index
    %get3A_946 = tpu.vector_load %arg4[%get3A_945] {strides = array<i32>} : memref<512xf32, #tpu.memory_space<vmem>>, vector<16xf32>,
    %get3A_947 = vector.shape_cast %get3A_946 : vector<16xf32> to vector<16xf32>
    %eq3A_948 = arith.constant 1 : i32
    %eq3A_949 = vector.broadcast %eq3A_948 : i32 to vector<16xi32>
    %eq3A_950 = arith.cmpi eq, %select_n3A_925, %eq3A_949 : vector<16xi32>
    %jit3A_951 = arith.constant 0xFF800000 : f32
    %broadcast_in_dim3A_952 = vector.broadcast %jit3A_951 : f32 to vector<16xf32>
    %select_n3A_953 = arith.select %eq3A_950, %broadcast_in_dim3A_952, %get3A_947 : vector<16xi1>, vector<16xf32>
    %gt3A_954 = arith.cmpf ogt, %select_n3A_953, %max3A_944 : vector<16xf32>
    %jit3A_955 = arith.constant 1 : i32
    %broadcast_in_dim3A_956 = vector.broadcast %jit3A_955 : i32 to vector<16xi32>
    %select_n3A_957 = arith.select %gt3A_954, %broadcast_in_dim3A_956, %select_n3A_943 : vector<16xi1>, vector<16xi32>
    %max3A_958 = arith.maximumf %max3A_944, %select_n3A_953 : vector<16xf32>
    %get3A_959 = arith.constant 176 : index
    %get3A_960 = tpu.vector_load %arg4[%get3A_959] {strides = array<i32>} : memref<512xf32, #tpu.memory_space<vmem>>, vector<16xf32>,
    %get3A_961 = vector.shape_cast %get3A_960 : vector<16xf32> to vector<16xf32>
    %eq3A_962 = arith.constant 2 : i32
    %eq3A_963 = vector.broadcast %eq3A_962 : i32 to vector<16xi32>
    %eq3A_964 = arith.cmpi eq, %select_n3A_925, %eq3A_963 : vector<16xi32>
    %jit3A_965 = arith.constant 0xFF800000 : f32
    %broadcast_in_dim3A_966 = vector.broadcast %jit3A_965 : f32 to vector<16xf32>
    %select_n3A_967 = arith.select %eq3A_964, %broadcast_in_dim3A_966, %get3A_961 : vector<16xi1>, vector<16xf32>
    %gt3A_968 = arith.cmpf ogt, %select_n3A_967, %max3A_958 : vector<16xf32>
    %jit3A_969 = arith.constant 2 : i32
    %broadcast_in_dim3A_970 = vector.broadcast %jit3A_969 : i32 to vector<16xi32>
    %select_n3A_971 = arith.select %gt3A_968, %broadcast_in_dim3A_970, %select_n3A_957 : vector<16xi1>, vector<16xi32>
    %max3A_972 = arith.maximumf %max3A_958, %select_n3A_967 : vector<16xf32>
    %get3A_973 = arith.constant 240 : index
    %get3A_974 = tpu.vector_load %arg4[%get3A_973] {strides = array<i32>} : memref<512xf32, #tpu.memory_space<vmem>>, vector<16xf32>,
    %get3A_975 = vector.shape_cast %get3A_974 : vector<16xf32> to vector<16xf32>
    %eq3A_976 = arith.constant 3 : i32
    %eq3A_977 = vector.broadcast %eq3A_976 : i32 to vector<16xi32>
    %eq3A_978 = arith.cmpi eq, %select_n3A_925, %eq3A_977 : vector<16xi32>
    %jit3A_979 = arith.constant 0xFF800000 : f32
    %broadcast_in_dim3A_980 = vector.broadcast %jit3A_979 : f32 to vector<16xf32>
    %select_n3A_981 = arith.select %eq3A_978, %broadcast_in_dim3A_980, %get3A_975 : vector<16xi1>, vector<16xf32>
    %gt3A_982 = arith.cmpf ogt, %select_n3A_981, %max3A_972 : vector<16xf32>
    %jit3A_983 = arith.constant 3 : i32
    %broadcast_in_dim3A_984 = vector.broadcast %jit3A_983 : i32 to vector<16xi32>
    %select_n3A_985 = arith.select %gt3A_982, %broadcast_in_dim3A_984, %select_n3A_971 : vector<16xi1>, vector<16xi32>
    %max3A_986 = arith.maximumf %max3A_972, %select_n3A_981 : vector<16xf32>
    %get3A_987 = arith.constant 304 : index
    %get3A_988 = tpu.vector_load %arg4[%get3A_987] {strides = array<i32>} : memref<512xf32, #tpu.memory_space<vmem>>, vector<16xf32>,
    %get3A_989 = vector.shape_cast %get3A_988 : vector<16xf32> to vector<16xf32>
    %eq3A_990 = arith.constant 4 : i32
    %eq3A_991 = vector.broadcast %eq3A_990 : i32 to vector<16xi32>
    %eq3A_992 = arith.cmpi eq, %select_n3A_925, %eq3A_991 : vector<16xi32>
    %jit3A_993 = arith.constant 0xFF800000 : f32
    %broadcast_in_dim3A_994 = vector.broadcast %jit3A_993 : f32 to vector<16xf32>
    %select_n3A_995 = arith.select %eq3A_992, %broadcast_in_dim3A_994, %get3A_989 : vector<16xi1>, vector<16xf32>
    %gt3A_996 = arith.cmpf ogt, %select_n3A_995, %max3A_986 : vector<16xf32>
    %jit3A_997 = arith.constant 4 : i32
    %broadcast_in_dim3A_998 = vector.broadcast %jit3A_997 : i32 to vector<16xi32>
    %select_n3A_999 = arith.select %gt3A_996, %broadcast_in_dim3A_998, %select_n3A_985 : vector<16xi1>, vector<16xi32>
    %max3A_1000 = arith.maximumf %max3A_986, %select_n3A_995 : vector<16xf32>
    %get3A_1001 = arith.constant 368 : index
    %get3A_1002 = tpu.vector_load %arg4[%get3A_1001] {strides = array<i32>} : memref<512xf32, #tpu.memory_space<vmem>>, vector<16xf32>,
    %get3A_1003 = vector.shape_cast %get3A_1002 : vector<16xf32> to vector<16xf32>
    %eq3A_1004 = arith.constant 5 : i32
    %eq3A_1005 = vector.broadcast %eq3A_1004 : i32 to vector<16xi32>
    %eq3A_1006 = arith.cmpi eq, %select_n3A_925, %eq3A_1005 : vector<16xi32>
    %jit3A_1007 = arith.constant 0xFF800000 : f32
    %broadcast_in_dim3A_1008 = vector.broadcast %jit3A_1007 : f32 to vector<16xf32>
    %select_n3A_1009 = arith.select %eq3A_1006, %broadcast_in_dim3A_1008, %get3A_1003 : vector<16xi1>, vector<16xf32>
    %gt3A_1010 = arith.cmpf ogt, %select_n3A_1009, %max3A_1000 : vector<16xf32>
    %jit3A_1011 = arith.constant 5 : i32
    %broadcast_in_dim3A_1012 = vector.broadcast %jit3A_1011 : i32 to vector<16xi32>
    %select_n3A_1013 = arith.select %gt3A_1010, %broadcast_in_dim3A_1012, %select_n3A_999 : vector<16xi1>, vector<16xi32>
    %max3A_1014 = arith.maximumf %max3A_1000, %select_n3A_1009 : vector<16xf32>
    %get3A_1015 = arith.constant 432 : index
    %get3A_1016 = tpu.vector_load %arg4[%get3A_1015] {strides = array<i32>} : memref<512xf32, #tpu.memory_space<vmem>>, vector<16xf32>,
    %get3A_1017 = vector.shape_cast %get3A_1016 : vector<16xf32> to vector<16xf32>
    %eq3A_1018 = arith.constant 6 : i32
    %eq3A_1019 = vector.broadcast %eq3A_1018 : i32 to vector<16xi32>
    %eq3A_1020 = arith.cmpi eq, %select_n3A_925, %eq3A_1019 : vector<16xi32>
    %jit3A_1021 = arith.constant 0xFF800000 : f32
    %broadcast_in_dim3A_1022 = vector.broadcast %jit3A_1021 : f32 to vector<16xf32>
    %select_n3A_1023 = arith.select %eq3A_1020, %broadcast_in_dim3A_1022, %get3A_1017 : vector<16xi1>, vector<16xf32>
    %gt3A_1024 = arith.cmpf ogt, %select_n3A_1023, %max3A_1014 : vector<16xf32>
    %jit3A_1025 = arith.constant 6 : i32
    %broadcast_in_dim3A_1026 = vector.broadcast %jit3A_1025 : i32 to vector<16xi32>
    %select_n3A_1027 = arith.select %gt3A_1024, %broadcast_in_dim3A_1026, %select_n3A_1013 : vector<16xi1>, vector<16xi32>
    %max3A_1028 = arith.maximumf %max3A_1014, %select_n3A_1023 : vector<16xf32>
    %get3A_1029 = arith.constant 496 : index
    %get3A_1030 = tpu.vector_load %arg4[%get3A_1029] {strides = array<i32>} : memref<512xf32, #tpu.memory_space<vmem>>, vector<16xf32>,
    %get3A_1031 = vector.shape_cast %get3A_1030 : vector<16xf32> to vector<16xf32>
    %eq3A_1032 = arith.constant 7 : i32
    %eq3A_1033 = vector.broadcast %eq3A_1032 : i32 to vector<16xi32>
    %eq3A_1034 = arith.cmpi eq, %select_n3A_925, %eq3A_1033 : vector<16xi32>
    %jit3A_1035 = arith.constant 0xFF800000 : f32
    %broadcast_in_dim3A_1036 = vector.broadcast %jit3A_1035 : f32 to vector<16xf32>
    %select_n3A_1037 = arith.select %eq3A_1034, %broadcast_in_dim3A_1036, %get3A_1031 : vector<16xi1>, vector<16xf32>
    %gt3A_1038 = arith.cmpf ogt, %select_n3A_1037, %max3A_1028 : vector<16xf32>
    %jit3A_1039 = arith.constant 7 : i32
    %broadcast_in_dim3A_1040 = vector.broadcast %jit3A_1039 : i32 to vector<16xi32>
    %select_n3A_1041 = arith.select %gt3A_1038, %broadcast_in_dim3A_1040, %select_n3A_1027 : vector<16xi1>, vector<16xi32>
    %max3A_1042 = arith.maximumf %max3A_1028, %select_n3A_1037 : vector<16xf32>
    %sub3A_1043 = arith.subf %max3A_1042, %max3A_926 : vector<16xf32>
    %exp3A_1044 = math.exp %sub3A_1043 : vector<16xf32>
    %add3A_1045 = arith.constant 1.000000e+00 : f32
    %add3A_1046 = vector.broadcast %add3A_1045 : f32 to vector<16xf32>
    %add3A_1047 = arith.addf %add3A_1046, %exp3A_1044 : vector<16xf32>
    %div3A_1048 = arith.constant 1.000000e+00 : f32
    %div3A_1049 = vector.broadcast %div3A_1048 : f32 to vector<16xf32>
    %div3A_1050 = arith.divf %div3A_1049, %add3A_1047 : vector<16xf32>
    %mul3A_1051 = arith.mulf %exp3A_1044, %div3A_1050 : vector<16xf32>
    %broadcast_in_dim3A_1052 = arith.constant 0.000000e+00 : f32
    %broadcast_in_dim3A_1053 = vector.broadcast %broadcast_in_dim3A_1052 : f32 to vector<16xf32>
    %eq3A_1054 = arith.constant 0 : i32
    %eq3A_1055 = vector.broadcast %eq3A_1054 : i32 to vector<16xi32>
    %eq3A_1056 = arith.cmpi eq, %select_n3A_925, %eq3A_1055 : vector<16xi32>
    %select_n3A_1057 = arith.select %eq3A_1056, %div3A_1050, %broadcast_in_dim3A_1053 : vector<16xi1>, vector<16xf32>
    %eq3A_1058 = arith.constant 0 : i32
    %eq3A_1059 = vector.broadcast %eq3A_1058 : i32 to vector<16xi32>
    %eq3A_1060 = arith.cmpi eq, %select_n3A_1041, %eq3A_1059 : vector<16xi32>
    %select_n3A_1061 = arith.select %eq3A_1060, %mul3A_1051, %broadcast_in_dim3A_1053 : vector<16xi1>, vector<16xf32>
    %add3A_1062 = arith.addf %select_n3A_1057, %select_n3A_1061 : vector<16xf32>
    %swap3A_1063 = arith.constant 48 : index
    %swap3A_1064 = tpu.vector_load %arg5[%swap3A_1063] {strides = array<i32>} : memref<512xf32, #tpu.memory_space<vmem>>, vector<16xf32>,
    %swap3A_1065 = vector.shape_cast %swap3A_1064 : vector<16xf32> to vector<16xf32>
    %swap3A_1066 = vector.shape_cast %add3A_1062 : vector<16xf32> to vector<16xf32>
    tpu.vector_store %arg5[%swap3A_1063], %swap3A_1066 {strides = array<i32>} : memref<512xf32, #tpu.memory_space<vmem>>, vector<16xf32>,
    %eq3A_1067 = arith.constant 1 : i32
    %eq3A_1068 = vector.broadcast %eq3A_1067 : i32 to vector<16xi32>
    %eq3A_1069 = arith.cmpi eq, %select_n3A_925, %eq3A_1068 : vector<16xi32>
    %select_n3A_1070 = arith.select %eq3A_1069, %div3A_1050, %broadcast_in_dim3A_1053 : vector<16xi1>, vector<16xf32>
    %eq3A_1071 = arith.constant 1 : i32
    %eq3A_1072 = vector.broadcast %eq3A_1071 : i32 to vector<16xi32>
    %eq3A_1073 = arith.cmpi eq, %select_n3A_1041, %eq3A_1072 : vector<16xi32>
    %select_n3A_1074 = arith.select %eq3A_1073, %mul3A_1051, %broadcast_in_dim3A_1053 : vector<16xi1>, vector<16xf32>
    %add3A_1075 = arith.addf %select_n3A_1070, %select_n3A_1074 : vector<16xf32>
    %swap3A_1076 = arith.constant 112 : index
    %swap3A_1077 = tpu.vector_load %arg5[%swap3A_1076] {strides = array<i32>} : memref<512xf32, #tpu.memory_space<vmem>>, vector<16xf32>,
    %swap3A_1078 = vector.shape_cast %swap3A_1077 : vector<16xf32> to vector<16xf32>
    %swap3A_1079 = vector.shape_cast %add3A_1075 : vector<16xf32> to vector<16xf32>
    tpu.vector_store %arg5[%swap3A_1076], %swap3A_1079 {strides = array<i32>} : memref<512xf32, #tpu.memory_space<vmem>>, vector<16xf32>,
    %eq3A_1080 = arith.constant 2 : i32
    %eq3A_1081 = vector.broadcast %eq3A_1080 : i32 to vector<16xi32>
    %eq3A_1082 = arith.cmpi eq, %select_n3A_925, %eq3A_1081 : vector<16xi32>
    %select_n3A_1083 = arith.select %eq3A_1082, %div3A_1050, %broadcast_in_dim3A_1053 : vector<16xi1>, vector<16xf32>
    %eq3A_1084 = arith.constant 2 : i32
    %eq3A_1085 = vector.broadcast %eq3A_1084 : i32 to vector<16xi32>
    %eq3A_1086 = arith.cmpi eq, %select_n3A_1041, %eq3A_1085 : vector<16xi32>
    %select_n3A_1087 = arith.select %eq3A_1086, %mul3A_1051, %broadcast_in_dim3A_1053 : vector<16xi1>, vector<16xf32>
    %add3A_1088 = arith.addf %select_n3A_1083, %select_n3A_1087 : vector<16xf32>
    %swap3A_1089 = arith.constant 176 : index
    %swap3A_1090 = tpu.vector_load %arg5[%swap3A_1089] {strides = array<i32>} : memref<512xf32, #tpu.memory_space<vmem>>, vector<16xf32>,
    %swap3A_1091 = vector.shape_cast %swap3A_1090 : vector<16xf32> to vector<16xf32>
    %swap3A_1092 = vector.shape_cast %add3A_1088 : vector<16xf32> to vector<16xf32>
    tpu.vector_store %arg5[%swap3A_1089], %swap3A_1092 {strides = array<i32>} : memref<512xf32, #tpu.memory_space<vmem>>, vector<16xf32>,
    %eq3A_1093 = arith.constant 3 : i32
    %eq3A_1094 = vector.broadcast %eq3A_1093 : i32 to vector<16xi32>
    %eq3A_1095 = arith.cmpi eq, %select_n3A_925, %eq3A_1094 : vector<16xi32>
    %select_n3A_1096 = arith.select %eq3A_1095, %div3A_1050, %broadcast_in_dim3A_1053 : vector<16xi1>, vector<16xf32>
    %eq3A_1097 = arith.constant 3 : i32
    %eq3A_1098 = vector.broadcast %eq3A_1097 : i32 to vector<16xi32>
    %eq3A_1099 = arith.cmpi eq, %select_n3A_1041, %eq3A_1098 : vector<16xi32>
    %select_n3A_1100 = arith.select %eq3A_1099, %mul3A_1051, %broadcast_in_dim3A_1053 : vector<16xi1>, vector<16xf32>
    %add3A_1101 = arith.addf %select_n3A_1096, %select_n3A_1100 : vector<16xf32>
    %swap3A_1102 = arith.constant 240 : index
    %swap3A_1103 = tpu.vector_load %arg5[%swap3A_1102] {strides = array<i32>} : memref<512xf32, #tpu.memory_space<vmem>>, vector<16xf32>,
    %swap3A_1104 = vector.shape_cast %swap3A_1103 : vector<16xf32> to vector<16xf32>
    %swap3A_1105 = vector.shape_cast %add3A_1101 : vector<16xf32> to vector<16xf32>
    tpu.vector_store %arg5[%swap3A_1102], %swap3A_1105 {strides = array<i32>} : memref<512xf32, #tpu.memory_space<vmem>>, vector<16xf32>,
    %eq3A_1106 = arith.constant 4 : i32
    %eq3A_1107 = vector.broadcast %eq3A_1106 : i32 to vector<16xi32>
    %eq3A_1108 = arith.cmpi eq, %select_n3A_925, %eq3A_1107 : vector<16xi32>
    %select_n3A_1109 = arith.select %eq3A_1108, %div3A_1050, %broadcast_in_dim3A_1053 : vector<16xi1>, vector<16xf32>
    %eq3A_1110 = arith.constant 4 : i32
    %eq3A_1111 = vector.broadcast %eq3A_1110 : i32 to vector<16xi32>
    %eq3A_1112 = arith.cmpi eq, %select_n3A_1041, %eq3A_1111 : vector<16xi32>
    %select_n3A_1113 = arith.select %eq3A_1112, %mul3A_1051, %broadcast_in_dim3A_1053 : vector<16xi1>, vector<16xf32>
    %add3A_1114 = arith.addf %select_n3A_1109, %select_n3A_1113 : vector<16xf32>
    %swap3A_1115 = arith.constant 304 : index
    %swap3A_1116 = tpu.vector_load %arg5[%swap3A_1115] {strides = array<i32>} : memref<512xf32, #tpu.memory_space<vmem>>, vector<16xf32>,
    %swap3A_1117 = vector.shape_cast %swap3A_1116 : vector<16xf32> to vector<16xf32>
    %swap3A_1118 = vector.shape_cast %add3A_1114 : vector<16xf32> to vector<16xf32>
    tpu.vector_store %arg5[%swap3A_1115], %swap3A_1118 {strides = array<i32>} : memref<512xf32, #tpu.memory_space<vmem>>, vector<16xf32>,
    %eq3A_1119 = arith.constant 5 : i32
    %eq3A_1120 = vector.broadcast %eq3A_1119 : i32 to vector<16xi32>
    %eq3A_1121 = arith.cmpi eq, %select_n3A_925, %eq3A_1120 : vector<16xi32>
    %select_n3A_1122 = arith.select %eq3A_1121, %div3A_1050, %broadcast_in_dim3A_1053 : vector<16xi1>, vector<16xf32>
    %eq3A_1123 = arith.constant 5 : i32
    %eq3A_1124 = vector.broadcast %eq3A_1123 : i32 to vector<16xi32>
    %eq3A_1125 = arith.cmpi eq, %select_n3A_1041, %eq3A_1124 : vector<16xi32>
    %select_n3A_1126 = arith.select %eq3A_1125, %mul3A_1051, %broadcast_in_dim3A_1053 : vector<16xi1>, vector<16xf32>
    %add3A_1127 = arith.addf %select_n3A_1122, %select_n3A_1126 : vector<16xf32>
    %swap3A_1128 = arith.constant 368 : index
    %swap3A_1129 = tpu.vector_load %arg5[%swap3A_1128] {strides = array<i32>} : memref<512xf32, #tpu.memory_space<vmem>>, vector<16xf32>,
    %swap3A_1130 = vector.shape_cast %swap3A_1129 : vector<16xf32> to vector<16xf32>
    %swap3A_1131 = vector.shape_cast %add3A_1127 : vector<16xf32> to vector<16xf32>
    tpu.vector_store %arg5[%swap3A_1128], %swap3A_1131 {strides = array<i32>} : memref<512xf32, #tpu.memory_space<vmem>>, vector<16xf32>,
    %eq3A_1132 = arith.constant 6 : i32
    %eq3A_1133 = vector.broadcast %eq3A_1132 : i32 to vector<16xi32>
    %eq3A_1134 = arith.cmpi eq, %select_n3A_925, %eq3A_1133 : vector<16xi32>
    %select_n3A_1135 = arith.select %eq3A_1134, %div3A_1050, %broadcast_in_dim3A_1053 : vector<16xi1>, vector<16xf32>
    %eq3A_1136 = arith.constant 6 : i32
    %eq3A_1137 = vector.broadcast %eq3A_1136 : i32 to vector<16xi32>
    %eq3A_1138 = arith.cmpi eq, %select_n3A_1041, %eq3A_1137 : vector<16xi32>
    %select_n3A_1139 = arith.select %eq3A_1138, %mul3A_1051, %broadcast_in_dim3A_1053 : vector<16xi1>, vector<16xf32>
    %add3A_1140 = arith.addf %select_n3A_1135, %select_n3A_1139 : vector<16xf32>
    %swap3A_1141 = arith.constant 432 : index
    %swap3A_1142 = tpu.vector_load %arg5[%swap3A_1141] {strides = array<i32>} : memref<512xf32, #tpu.memory_space<vmem>>, vector<16xf32>,
    %swap3A_1143 = vector.shape_cast %swap3A_1142 : vector<16xf32> to vector<16xf32>
    %swap3A_1144 = vector.shape_cast %add3A_1140 : vector<16xf32> to vector<16xf32>
    tpu.vector_store %arg5[%swap3A_1141], %swap3A_1144 {strides = array<i32>} : memref<512xf32, #tpu.memory_space<vmem>>, vector<16xf32>,
    %eq3A_1145 = arith.constant 7 : i32
    %eq3A_1146 = vector.broadcast %eq3A_1145 : i32 to vector<16xi32>
    %eq3A_1147 = arith.cmpi eq, %select_n3A_925, %eq3A_1146 : vector<16xi32>
    %select_n3A_1148 = arith.select %eq3A_1147, %div3A_1050, %broadcast_in_dim3A_1053 : vector<16xi1>, vector<16xf32>
    %eq3A_1149 = arith.constant 7 : i32
    %eq3A_1150 = vector.broadcast %eq3A_1149 : i32 to vector<16xi32>
    %eq3A_1151 = arith.cmpi eq, %select_n3A_1041, %eq3A_1150 : vector<16xi32>
    %select_n3A_1152 = arith.select %eq3A_1151, %mul3A_1051, %broadcast_in_dim3A_1053 : vector<16xi1>, vector<16xf32>
    %add3A_1153 = arith.addf %select_n3A_1148, %select_n3A_1152 : vector<16xf32>
    %swap3A_1154 = arith.constant 496 : index
    %swap3A_1155 = tpu.vector_load %arg5[%swap3A_1154] {strides = array<i32>} : memref<512xf32, #tpu.memory_space<vmem>>, vector<16xf32>,
    %swap3A_1156 = vector.shape_cast %swap3A_1155 : vector<16xf32> to vector<16xf32>
    %swap3A_1157 = vector.shape_cast %add3A_1153 : vector<16xf32> to vector<16xf32>
    tpu.vector_store %arg5[%swap3A_1154], %swap3A_1157 {strides = array<i32>} : memref<512xf32, #tpu.memory_space<vmem>>, vector<16xf32>,
    "tpu.region"() ({
      %run_scoped3A = tpu.sem_alloc : memref<!tpu.dma_semaphore, #tpu.memory_space<semaphore_mem>>
      %dma_start3A = arith.constant 0 : i32
      %dma_start3A_1158 = tpu.memref_slice %arg3[%add3A, %dma_start3A] : memref<32x512xf32, #tpu.memory_space<hbm>> -> memref<1x512xf32, #tpu.memory_space<hbm>>
      %dma_start3A_1159 = tpu.memref_squeeze %dma_start3A_1158 : memref<1x512xf32, #tpu.memory_space<hbm>> -> memref<512xf32, #tpu.memory_space<hbm>>
      %dma_start3A_1160 = arith.constant 0 : i32
      %dma_start3A_1161 = tpu.memref_slice %arg3[%add3A, %dma_start3A_1160] : memref<32x512xf32, #tpu.memory_space<hbm>> -> memref<1x512xf32, #tpu.memory_space<hbm>>
      %dma_start3A_1162 = tpu.memref_squeeze %dma_start3A_1161 : memref<1x512xf32, #tpu.memory_space<hbm>> -> memref<512xf32, #tpu.memory_space<hbm>>
      tpu.enqueue_dma source(%arg5 : memref<512xf32, #tpu.memory_space<vmem>>) target(%dma_start3A_1162 : memref<512xf32, #tpu.memory_space<hbm>>) target_semaphore(%run_scoped3A : memref<!tpu.dma_semaphore, #tpu.memory_space<semaphore_mem>>)
      %dma_wait3A = arith.constant 0 : i32
      %dma_wait3A_1163 = tpu.memref_slice %arg3[%add3A, %dma_wait3A] : memref<32x512xf32, #tpu.memory_space<hbm>> -> memref<1x512xf32, #tpu.memory_space<hbm>>
      %dma_wait3A_1164 = tpu.memref_squeeze %dma_wait3A_1163 : memref<1x512xf32, #tpu.memory_space<hbm>> -> memref<512xf32, #tpu.memory_space<hbm>>
      %dma_wait3A_1165 = arith.constant 0 : i32
      %dma_wait3A_1166 = tpu.memref_slice %arg3[%add3A, %dma_wait3A_1165] : memref<32x512xf32, #tpu.memory_space<hbm>> -> memref<1x512xf32, #tpu.memory_space<hbm>>
      %dma_wait3A_1167 = tpu.memref_squeeze %dma_wait3A_1166 : memref<1x512xf32, #tpu.memory_space<hbm>> -> memref<512xf32, #tpu.memory_space<hbm>>
      tpu.wait_dma2 semaphore(%run_scoped3A : memref<!tpu.dma_semaphore, #tpu.memory_space<semaphore_mem>>) src(%arg5 : memref<512xf32, #tpu.memory_space<vmem>>) dst(%dma_wait3A_1167 : memref<512xf32, #tpu.memory_space<hbm>>)
      tpu.yield
    }) : () -> ()
    return
  }
}

module attributes {stable_mosaic.version = 14 : i64} {
  func.func @_mlp_kernel(%arg0: i32, %arg1: memref<2048x768xf32, #tpu.memory_space<vmem>>, %arg2: memref<2048x8xf32, #tpu.memory_space<vmem>>, %arg3: memref<512x768xf32, #tpu.memory_space<vmem>>, %arg4: memref<512x768xf32, #tpu.memory_space<vmem>>, %arg5: memref<768x512xf32, #tpu.memory_space<vmem>>, %arg6: memref<64x768xf32, #tpu.memory_space<vmem>>, %arg7: memref<64x768xf32, #tpu.memory_space<vmem>>, %arg8: memref<8x64xf32, #tpu.memory_space<vmem>>, %arg9: memref<2048x768xf32, #tpu.memory_space<vmem>>, %arg10: memref<2048x768xbf16, #tpu.memory_space<vmem>>) attributes {dimension_semantics = [#tpu.dimension_semantics<arbitrary>], iteration_bounds = array<i64: 4>, scalar_prefetch = 0 : i64, scratch_operands = 1 : i64, tpu.core_type = #tpu.core_type<tc>, window_params = [{pipeline_mode = #tpu.pipeline_mode<synchronous>, transform_indices = @transform_0, window_bounds = array<i64: 2048, 768>}, {pipeline_mode = #tpu.pipeline_mode<synchronous>, transform_indices = @transform_1, window_bounds = array<i64: 2048, 8>}, {transform_indices = @transform_2, window_bounds = array<i64: 512, 768>}, {transform_indices = @transform_3, window_bounds = array<i64: 512, 768>}, {transform_indices = @transform_4, window_bounds = array<i64: 768, 512>}, {pipeline_mode = #tpu.pipeline_mode<synchronous>, transform_indices = @transform_5, window_bounds = array<i64: 64, 768>}, {pipeline_mode = #tpu.pipeline_mode<synchronous>, transform_indices = @transform_6, window_bounds = array<i64: 64, 768>}, {pipeline_mode = #tpu.pipeline_mode<synchronous>, transform_indices = @transform_7, window_bounds = array<i64: 8, 64>}, {pipeline_mode = #tpu.pipeline_mode<synchronous>, transform_indices = @transform_8, window_bounds = array<i64: 2048, 768>}]} {
    %eq3A = arith.constant 0 : i32
    %eq3A_0 = arith.cmpi eq, %arg0, %eq3A : i32
    %convert_element_type3A = arith.extui %eq3A_0 : i1 to i32
    %cond3A = arith.constant 0 : i32
    %cond3A_1 = arith.cmpi ne, %convert_element_type3A, %cond3A : i32
    scf.if %cond3A_1 {
      %get3A_33 = arith.constant 0 : index
      %get3A_34 = arith.constant 0 : index
      %get3A_35 = vector.load %arg1[%get3A_33, %get3A_34] : memref<2048x768xf32, #tpu.memory_space<vmem>>, vector<2048x768xf32>
      %convert_element_type3A_36 = arith.truncf %get3A_35 : vector<2048x768xf32> to vector<2048x768xbf16>
      %swap3A_37 = arith.constant 0 : index
      %swap3A_38 = arith.constant 0 : index
      %swap3A_39 = vector.load %arg10[%swap3A_37, %swap3A_38] : memref<2048x768xbf16, #tpu.memory_space<vmem>>, vector<2048x768xbf16>
      tpu.vector_store %arg10[%swap3A_37, %swap3A_38], %convert_element_type3A_36 {strides = array<i32>} : memref<2048x768xbf16, #tpu.memory_space<vmem>>, vector<2048x768xbf16>,
      %get3A_40 = arith.constant 0 : index
      %get3A_41 = arith.constant 0 : index
      %get3A_42 = vector.load %arg2[%get3A_40, %get3A_41] : memref<2048x8xf32, #tpu.memory_space<vmem>>, vector<2048x8xf32>
      %get3A_43 = arith.constant 0 : index
      %get3A_44 = arith.constant 0 : index
      %get3A_45 = vector.load %arg8[%get3A_43, %get3A_44] : memref<8x64xf32, #tpu.memory_space<vmem>>, vector<8x64xf32>
      %dot_general3A_46 = arith.constant dense<0.000000e+00> : vector<2048x64xf32>
      %dot_general3A_47 = tpu.matmul %get3A_42, %get3A_45, %dot_general3A_46 {dimension_numbers = #tpu.dot_dimension_numbers<[1], [0], [0], [1], [0, 0, 1, 1], [], []>, transpose_lhs_hint = false} : vector<2048x8xf32>, vector<8x64xf32>, vector<2048x64xf32> -> vector<2048x64xf32>
      %get3A_48 = arith.constant 0 : index
      %get3A_49 = arith.constant 0 : index
      %get3A_50 = vector.load %arg6[%get3A_48, %get3A_49] : memref<64x768xf32, #tpu.memory_space<vmem>>, vector<64x768xf32>
      %dot_general3A_51 = arith.constant dense<0.000000e+00> : vector<2048x64xf32>
      %dot_general3A_52 = tpu.matmul %get3A_35, %get3A_50, %dot_general3A_51 {dimension_numbers = #tpu.dot_dimension_numbers<[1], [1], [0], [0], [0, 0, 1, 0], [], []>, transpose_lhs_hint = false} : vector<2048x768xf32>, vector<64x768xf32>, vector<2048x64xf32> -> vector<2048x64xf32>
      %mul3A_53 = arith.mulf %dot_general3A_47, %dot_general3A_52 : vector<2048x64xf32>
      %get3A_54 = arith.constant 0 : index
      %get3A_55 = arith.constant 0 : index
      %get3A_56 = vector.load %arg7[%get3A_54, %get3A_55] : memref<64x768xf32, #tpu.memory_space<vmem>>, vector<64x768xf32>
      %dot_general3A_57 = arith.constant dense<0.000000e+00> : vector<2048x768xf32>
      %dot_general3A_58 = tpu.matmul %mul3A_53, %get3A_56, %dot_general3A_57 {dimension_numbers = #tpu.dot_dimension_numbers<[1], [0], [0], [1], [0, 0, 1, 1], [], []>, transpose_lhs_hint = false} : vector<2048x64xf32>, vector<64x768xf32>, vector<2048x768xf32> -> vector<2048x768xf32>
      %swap3A_59 = arith.constant 0 : index
      %swap3A_60 = arith.constant 0 : index
      %swap3A_61 = vector.load %arg9[%swap3A_59, %swap3A_60] : memref<2048x768xf32, #tpu.memory_space<vmem>>, vector<2048x768xf32>
      tpu.vector_store %arg9[%swap3A_59, %swap3A_60], %dot_general3A_58 {strides = array<i32>} : memref<2048x768xf32, #tpu.memory_space<vmem>>, vector<2048x768xf32>,
    } else {
    }
    %get3A = arith.constant 0 : index
    %get3A_2 = arith.constant 0 : index
    %get3A_3 = vector.load %arg10[%get3A, %get3A_2] : memref<2048x768xbf16, #tpu.memory_space<vmem>>, vector<2048x768xbf16>
    %get3A_4 = arith.constant 0 : index
    %get3A_5 = arith.constant 0 : index
    %get3A_6 = vector.load %arg3[%get3A_4, %get3A_5] : memref<512x768xf32, #tpu.memory_space<vmem>>, vector<512x768xf32>
    %convert_element_type3A_7 = arith.truncf %get3A_6 : vector<512x768xf32> to vector<512x768xbf16>
    %dot_general3A = arith.constant dense<0.000000e+00> : vector<2048x512xf32>
    %dot_general3A_8 = tpu.matmul %get3A_3, %convert_element_type3A_7, %dot_general3A {dimension_numbers = #tpu.dot_dimension_numbers<[1], [1], [0], [0], [0, 0, 1, 0], [], []>, transpose_lhs_hint = false} : vector<2048x768xbf16>, vector<512x768xbf16>, vector<2048x512xf32> -> vector<2048x512xf32>
    %get3A_9 = arith.constant 0 : index
    %get3A_10 = arith.constant 0 : index
    %get3A_11 = vector.load %arg4[%get3A_9, %get3A_10] : memref<512x768xf32, #tpu.memory_space<vmem>>, vector<512x768xf32>
    %convert_element_type3A_12 = arith.truncf %get3A_11 : vector<512x768xf32> to vector<512x768xbf16>
    %dot_general3A_13 = arith.constant dense<0.000000e+00> : vector<2048x512xf32>
    %dot_general3A_14 = tpu.matmul %get3A_3, %convert_element_type3A_12, %dot_general3A_13 {dimension_numbers = #tpu.dot_dimension_numbers<[1], [1], [0], [0], [0, 0, 1, 0], [], []>, transpose_lhs_hint = false} : vector<2048x768xbf16>, vector<512x768xbf16>, vector<2048x512xf32> -> vector<2048x512xf32>
    %logistic3A = arith.negf %dot_general3A_8 : vector<2048x512xf32>
    %logistic3A_15 = math.exp %logistic3A : vector<2048x512xf32>
    %logistic3A_16 = arith.constant 1.000000e+00 : f32
    %logistic3A_17 = vector.broadcast %logistic3A_16 : f32 to vector<2048x512xf32>
    %logistic3A_18 = arith.addf %logistic3A_17, %logistic3A_15 : vector<2048x512xf32>
    %logistic3A_19 = arith.divf %logistic3A_17, %logistic3A_18 : vector<2048x512xf32>
    %mul3A = arith.mulf %dot_general3A_8, %logistic3A_19 : vector<2048x512xf32>
    %mul3A_20 = arith.mulf %mul3A, %dot_general3A_14 : vector<2048x512xf32>
    %get3A_21 = arith.constant 0 : index
    %get3A_22 = arith.constant 0 : index
    %get3A_23 = vector.load %arg9[%get3A_21, %get3A_22] : memref<2048x768xf32, #tpu.memory_space<vmem>>, vector<2048x768xf32>
    %convert_element_type3A_24 = arith.truncf %mul3A_20 : vector<2048x512xf32> to vector<2048x512xbf16>
    %get3A_25 = arith.constant 0 : index
    %get3A_26 = arith.constant 0 : index
    %get3A_27 = vector.load %arg5[%get3A_25, %get3A_26] : memref<768x512xf32, #tpu.memory_space<vmem>>, vector<768x512xf32>
    %convert_element_type3A_28 = arith.truncf %get3A_27 : vector<768x512xf32> to vector<768x512xbf16>
    %dot_general3A_29 = arith.constant dense<0.000000e+00> : vector<2048x768xf32>
    %dot_general3A_30 = tpu.matmul %convert_element_type3A_24, %convert_element_type3A_28, %dot_general3A_29 {dimension_numbers = #tpu.dot_dimension_numbers<[1], [1], [0], [0], [0, 0, 1, 0], [], []>, transpose_lhs_hint = false} : vector<2048x512xbf16>, vector<768x512xbf16>, vector<2048x768xf32> -> vector<2048x768xf32>
    %add3A = arith.addf %get3A_23, %dot_general3A_30 : vector<2048x768xf32>
    %swap3A = arith.constant 0 : index
    %swap3A_31 = arith.constant 0 : index
    %swap3A_32 = vector.load %arg9[%swap3A, %swap3A_31] : memref<2048x768xf32, #tpu.memory_space<vmem>>, vector<2048x768xf32>
    tpu.vector_store %arg9[%swap3A, %swap3A_31], %add3A {strides = array<i32>} : memref<2048x768xf32, #tpu.memory_space<vmem>>, vector<2048x768xf32>,
    return
  }
  func.func @transform_0(%arg0: i32) -> (i32, i32) {
    %c0_i32 = arith.constant 0 : i32
    %c0_i32_0 = arith.constant 0 : i32
    %c0_i32_1 = arith.constant 0 : i32
    return %c0_i32, %c0_i32_0 : i32, i32
  }
  func.func @transform_1(%arg0: i32) -> (i32, i32) {
    %c0_i32 = arith.constant 0 : i32
    %c0_i32_0 = arith.constant 0 : i32
    %c0_i32_1 = arith.constant 0 : i32
    return %c0_i32, %c0_i32_0 : i32, i32
  }
  func.func @transform_2(%arg0: i32) -> (i32, i32) {
    %c0_i32 = arith.constant 0 : i32
    %c0_i32_0 = arith.constant 0 : i32
    return %arg0, %c0_i32 : i32, i32
  }
  func.func @transform_3(%arg0: i32) -> (i32, i32) {
    %c0_i32 = arith.constant 0 : i32
    %c0_i32_0 = arith.constant 0 : i32
    return %arg0, %c0_i32 : i32, i32
  }
  func.func @transform_4(%arg0: i32) -> (i32, i32) {
    %c0_i32 = arith.constant 0 : i32
    %c0_i32_0 = arith.constant 0 : i32
    return %c0_i32, %arg0 : i32, i32
  }
  func.func @transform_5(%arg0: i32) -> (i32, i32) {
    %c0_i32 = arith.constant 0 : i32
    %c0_i32_0 = arith.constant 0 : i32
    %c0_i32_1 = arith.constant 0 : i32
    return %c0_i32, %c0_i32_0 : i32, i32
  }
  func.func @transform_6(%arg0: i32) -> (i32, i32) {
    %c0_i32 = arith.constant 0 : i32
    %c0_i32_0 = arith.constant 0 : i32
    %c0_i32_1 = arith.constant 0 : i32
    return %c0_i32, %c0_i32_0 : i32, i32
  }
  func.func @transform_7(%arg0: i32) -> (i32, i32) {
    %c0_i32 = arith.constant 0 : i32
    %c0_i32_0 = arith.constant 0 : i32
    %c0_i32_1 = arith.constant 0 : i32
    return %c0_i32, %c0_i32_0 : i32, i32
  }
  func.func @transform_8(%arg0: i32) -> (i32, i32) {
    %c0_i32 = arith.constant 0 : i32
    %c0_i32_0 = arith.constant 0 : i32
    %c0_i32_1 = arith.constant 0 : i32
    return %c0_i32, %c0_i32_0 : i32, i32
  }
}

module attributes {stable_mosaic.version = 14 : i64} {
  func.func @_logits_kernel(%arg0: memref<2048x768xf32, #tpu.memory_space<vmem>>, %arg1: memref<8x768xf32, #tpu.memory_space<vmem>>, %arg2: memref<2048x8xf32, #tpu.memory_space<vmem>>) attributes {dimension_semantics = [], scalar_prefetch = 0 : i64, scratch_operands = 0 : i64, tpu.core_type = #tpu.core_type<tc>} {
    %get3A = arith.constant 0 : index
    %get3A_0 = arith.constant 0 : index
    %get3A_1 = vector.load %arg0[%get3A, %get3A_0] : memref<2048x768xf32, #tpu.memory_space<vmem>>, vector<2048x768xf32>
    %get3A_2 = arith.constant 0 : index
    %get3A_3 = arith.constant 0 : index
    %get3A_4 = vector.load %arg1[%get3A_2, %get3A_3] : memref<8x768xf32, #tpu.memory_space<vmem>>, vector<8x768xf32>
    %dot_general3A = arith.constant dense<0.000000e+00> : vector<2048x8xf32>
    %dot_general3A_5 = tpu.matmul %get3A_1, %get3A_4, %dot_general3A {dimension_numbers = #tpu.dot_dimension_numbers<[1], [1], [0], [0], [0, 0, 1, 0], [], []>, transpose_lhs_hint = false} : vector<2048x768xf32>, vector<8x768xf32>, vector<2048x8xf32> -> vector<2048x8xf32>
    %swap3A = arith.constant 0 : index
    %swap3A_6 = arith.constant 0 : index
    %swap3A_7 = vector.load %arg2[%swap3A, %swap3A_6] : memref<2048x8xf32, #tpu.memory_space<vmem>>, vector<2048x8xf32>
    tpu.vector_store %arg2[%swap3A, %swap3A_6], %dot_general3A_5 {strides = array<i32>} : memref<2048x8xf32, #tpu.memory_space<vmem>>, vector<2048x8xf32>,
    return
  }
}

</mosaic_0001>

<sc_bundles>
// kernel: kernel.5.cloned.1.call-start
scs
__scs_entry_jumppad:
0x0: {  	(pc) =	sbr.rel $0x88, $3  }
0x1: {  	(tag) =	ssettag $0x0;
	lr =	simm.s32 $0x1  }
0x2: {  	[smem:$0x3F9A] =	sst lr;
	_ =	strace $0xD0000000  }
0x3: {  	_ = 	snop  }
0x4: {  	_ = 	snop  }
0x5: {  	_ = 	snop  }
0x6: {  	_ = 	snop  }
0x7: {  	_ = 	snop  }
__scs_overlays_trampoline_lowered:
0x8: {  	[smem:$0x3FA9] =	sst s0  }
0x9: {  	[smem:$0x3FAA] =	sst s1  }
0xa: {  	[smem:$0x3FAB] =	sst s2  }
0xb: {  	[smem:$0x3FAC] =	sst s3  }
0xc: {  	[smem:$0x3FAD] =	sst s4  }
0xd: {  	[smem:$0x3FAE] =	sst s5  }
0xe: {  	[smem:$0x3FAF] =	sst s6  }
0xf: {  	[smem:$0x3FB0] =	sst s7  }
0x10: {  	[smem:$0x3FB1] =	sst s8  }
0x11: {  	[smem:$0x3FB2] =	sst s9;
	s0 =	simm.s32 @!p0 $0x0  }
0x12: {  	s1 =	sld [smem:$0x3F98];
	s0 =	simm.s32 @p0 $0x1  }
0x13: {  	[smem:$0x3FB3] =	sst s0;
	s0 =	simm.s32 @!p1 $0x0  }
0x14: {  	s2 =	sld [smem:$0x3F97];
	s0 =	simm.s32 @p1 $0x1  }
0x15: {  	[smem:$0x3FB4] =	sst s0;
	s0 =	simm.s32 @!p2 $0x0  }
0x16: {  	s3 =	sld [smem:$0x3FDB];
	s0 =	simm.s32 @p2 $0x1  }
0x17: {  	s4 =	simm.s32 $0x1BF5;
	[smem:$0x3FB6] =	sst s0  }
0x18: {  	s0 =	sld [smem:$0x3F99];
	_ =	swait.ge [sflag:s4], $0x0  }
0x19: {  	s7 =	sld [smem:$0x3F9A]  }
0x1a: {  	s8 =	sadd.s32 $0xFFFFE003, lr  }
0x1b: {  	s9 =	sadd.s32 $0xFFFFFEF7, lr;
	s5 =	simm.s32 $0xFFFFFFFF;
	p2 =	slt.u32 s8, $0xFFFFF086  }
0x1c: {  	p1 =	slt.u32 s9, $0xF7A;
	s5 =	simm.s32 @!p2 $0x0  }
0x1d: {  	s5 =	simm.s32 @p1 $0x1;
	p0 =	seq.s32 s7, s2  }
0x1e: {  	s7 =	smul.u32 @!p0 $0xF7A, s2;
	p2 =	seq.s32 @!p0 s5, $0x0  }
0x1f: {  	s9 =	smul.u32 $0xF7A, s1;
	s8 =	simm.s32 @!p0 $0x1BF5;
	p2 =	por !p2, p0  }
0x20: {  	[sflag:s8] =	ssyncset.s32 @!p0 $0xFFFFF086;
	s6 =	sadd.s32 @!p0 s3, s7;
	s7 =	simm.s32 @!p0 $0x108  }
0x21: {  	s3 =	sadd.s32 s3, s9;
	s6 =	sadd.s32 @!p0 $0x88, s6;
	s7 =	simm.s32 @p2 $0x1082  }
0x22: {  	[simem:s7], [sflag:s8] =	dma.local @!p0 [hbm:s6], $0xF7A  }
0x23: {  	s9 =	sor.u32 $0xD0000000, s2;
	s6 =	simm.s32 $0x108;
	_ =	swait.ge @!p0 [sflag:s8], $0x0  }
0x24: {  	s3 =	sadd.s32 $0x88, s3;
	s6 =	simm.s32 @!p1 $0x1082;
	[sflag:s4] =	ssyncset.s32 $0xFFFFF086  }
0x25: {  	[simem:s6], [sflag:s4] =	dma.local [hbm:s3], $0xF7A  }
0x26: {  	[smem:$0x3F9A] =	sst s1;
	(tag) =	ssettag s2;
	_ =	strace s9  }
0x27: {  	s1 =	sld [smem:$0x3FAA]  }
0x28: {  	s2 =	sld [smem:$0x3FAB]  }
0x29: {  	s4 =	sld [smem:$0x3FAD]  }
0x2a: {  	p0 =	seq.s32 s5, $0x0;
	s5 =	sld [smem:$0x3FAE]  }
0x2b: {  	s6 =	sld [smem:$0x3FAF]  }
0x2c: {  	s7 =	sld [smem:$0x3FB0]  }
0x2d: {  	s3 =	simm.s32 $0x108;
	s8 =	sld [smem:$0x3FB1]  }
0x2e: {  	s3 =	simm.s32 @!p0 $0x1082;
	s9 =	sld [smem:$0x3FB2]  }
0x2f: {  	lr =	sadd.s32 s0, s3;
	s0 =	sld [smem:$0x3FA9]  }
0x30: {  	s3 =	sld [smem:$0x3FAC]  }
0x31: {  	[smem:$0x3FB5] =	sst s10  }
0x32: {  	s10 =	sld [smem:$0x3FB3];
	_ =	sdelay $0x3  }
0x33: {  	p0 =	seq.s32 s10, $0x1;
	s10 =	sld [smem:$0x3FB5];
	_ =	sdelay $0x3  }
0x34: {  	[smem:$0x3FB5] =	sst s10  }
0x35: {  	s10 =	sld [smem:$0x3FB4];
	_ =	sdelay $0x3  }
0x36: {  	p1 =	seq.s32 s10, $0x1;
	s10 =	sld [smem:$0x3FB5];
	_ =	sdelay $0x3  }
0x37: {  	[smem:$0x3FB5] =	sst s10  }
0x38: {  	s10 =	sld [smem:$0x3FB6]  }
0x39: {  	_ = 	snop;
	(pc) =	sbr.ind lr, $3  }
0x3a: {  	_ = 	snop  }
0x3b: {  	_ = 	snop  }
0x3c: {  	p2 =	seq.s32 s10, $0x1;
	s10 =	sld [smem:$0x3FB5]  }
0x3d: {  	_ =	shalt  }
0x3e: {  	_ =	shalt  }
0x3f: {  	_ =	shalt  }
0x40: {  	_ =	shalt  }
0x41: {  	_ =	shalt  }
0x42: {  	_ =	shalt  }
0x43: {  	_ =	shalt  }
0x44: {  	_ =	shalt  }
0x45: {  	_ =	shalt  }
0x46: {  	_ =	shalt  }
0x47: {  	_ =	shalt  }
0x48: {  	_ =	shalt  }
0x49: {  	_ =	shalt  }
0x4a: {  	_ =	shalt  }
0x4b: {  	_ =	shalt  }
0x4c: {  	_ =	shalt  }
0x4d: {  	_ =	shalt  }
0x4e: {  	_ =	shalt  }
0x4f: {  	_ =	shalt  }
0x50: {  	_ =	shalt  }
0x51: {  	_ =	shalt  }
0x52: {  	_ =	shalt  }
0x53: {  	_ =	shalt  }
0x54: {  	_ =	shalt  }
0x55: {  	_ =	shalt  }
0x56: {  	_ =	shalt  }
0x57: {  	_ =	shalt  }
0x58: {  	_ =	shalt  }
0x59: {  	_ =	shalt  }
0x5a: {  	_ =	shalt  }
0x5b: {  	_ =	shalt  }
0x5c: {  	_ =	shalt  }
0x5d: {  	_ =	shalt  }
0x5e: {  	_ =	shalt  }
0x5f: {  	_ =	shalt  }
0x60: {  	_ =	shalt  }
0x61: {  	_ =	shalt  }
0x62: {  	_ =	shalt  }
0x63: {  	_ =	shalt  }
0x64: {  	_ =	shalt  }
0x65: {  	_ =	shalt  }
0x66: {  	_ =	shalt  }
0x67: {  	_ =	shalt  }
0x68: {  	_ =	shalt  }
0x69: {  	_ =	shalt  }
0x6a: {  	_ =	shalt  }
0x6b: {  	_ =	shalt  }
0x6c: {  	_ =	shalt  }
0x6d: {  	_ =	shalt  }
0x6e: {  	_ =	shalt  }
0x6f: {  	_ =	shalt  }
0x70: {  	_ =	shalt  }
0x71: {  	_ =	shalt  }
0x72: {  	_ =	shalt  }
0x73: {  	_ =	shalt  }
0x74: {  	_ =	shalt  }
0x75: {  	_ =	shalt  }
0x76: {  	_ =	shalt  }
0x77: {  	_ =	shalt  }
0x78: {  	_ =	shalt  }
0x79: {  	_ =	shalt  }
0x7a: {  	_ =	shalt  }
0x7b: {  	_ =	shalt  }
0x7c: {  	_ =	shalt  }
0x7d: {  	_ =	shalt  }
0x7e: {  	_ =	shalt  }
0x7f: {  	_ =	shalt  }
0x80: {  	_ =	shalt  }
0x81: {  	_ =	shalt  }
0x82: {  	_ =	shalt  }
0x83: {  	_ =	shalt  }
0x84: {  	_ =	shalt  }
0x85: {  	_ =	shalt  }
0x86: {  	_ =	shalt  }
0x87: {  	_ =	shalt  }
.Lfunc_end0:
.L_simem_size_0:
called_computation_lowered:
.L_overlay_start_0:
0x88: {  	s2 =	sld [smem:$0x3FD9]  }
0x89: {  	s3 =	sld [smem:$0x3FFE];
	_ =	sdelay $0x1  }
0x8a: {  	s1 =	srdreg.scid  }
0x8b: {  	s0 =	sand.u32 $0x1, s1  }
0x8c: {  	s14 =	sshll.u32 s0, $0xA;
	s2 =	sadd.s32 s3, s2  }
0x8d: {  	s2 =	sadd.s32 s2, s14  }
0x8e: {  	[smem:$0x3FC1] =	sst s2  }
0x8f: {  	_ = 	snop  }
0x90: {  	s2 =	sld [smem:$0x3FD0];
	_ =	sdelay $0x2  }
0x91: {  	s15 =	simm.s32 $0xA;
	s4 =	simm.s32 $0x10  }
0x92: {  	[smem:s4], [sflag:s15] =	dma.local [hbm:s2], $0x1  }
0x93: {  	_ =	swait.eq [sflag:s15], $0x1  }
0x94: {  	[sflag:s15] =	ssyncset.done $0x0  }
0x95: {  	[sflag:s15] =	ssyncadd.s32 $0xFFFFFFFF  }
0x96: {  	s16 =	sld [smem:$0x10];
	(tm) =	ssettm $0x1  }
0x97: {  	s17 =	sld [smem:$0x3FFB];
	_ =	sdelay $0x3  }
0x98: {  	_ =	strace s17  }
0x99: {  	s3 =	sld [smem:$0x3FFC];
	_ =	sdelay $0x3  }
0x9a: {  	_ =	strace s3  }
0x9b: {  	s3 =	sld [smem:$0x3FFD];
	_ =	sdelay $0x3  }
0x9c: {  	_ =	strace s3  }
0x9d: {  	_ =	strace $0x8FFFFFFF  }
0x9e: {  	s18 =	sld [smem:$0x3FDB];
	_ =	sdelay $0x1  }
0x9f: {  	s19 =	simm.s32 $_scs_section_size  }
0xa0: {  	s5 =	simm.s32 $_size__tile_overlayer_lowered;
	s6 =	simm.s32 $_tile_overlayer_lowered  }
0xa1: {  	s22 =	simm.s32 $0x1BFF;
	s21 =	sshll.u32 s6, $0x1;
	s3 =	sadd.s32 s19, s18  }
0xa2: {  	s7 =	simm.s32 $0x0;
	s20 =	sshll.u32 s5, $0x1;
	s5 =	sadd.s32 s21, s3  }
0xa3: {  	[timem:s7], [sflag:s22] =	dma.local [hbm:s5], s20  }
0xa4: {  	_ =	swait.ge [sflag:s22], s20  }
0xa5: {  	s4 =	ssub.s32 $0x0, s20;
	[sflag:s22] =	ssyncset.done $0x0  }
0xa6: {  	[sflag:s22] =	ssyncadd.s32 s4;
	_ =	sdelay $0x1  }
0xa7: {  	s23 =	simm.s32 $0x1B8B  }
0xa8: {  	_ =	swait.ge [sflag:s23], $0x1  }
0xa9: {  	[sflag:s23] =	ssyncset.done $0x0  }
0xaa: {  	s25 =	simm.s32 $0x1B8E;
	s24 =	sld [smem:$0x3FFE];
	[sflag:s23] =	ssyncadd.s32 $0xFFFFFFFF  }
0xab: {  	s26 =	simm.s32 $execute0_lowered;
	[smem:$0x3FD2] =	sst s25  }
0xac: {  	s5 =	sshll.u32 s26, $0x1;
	_ =	strace $0x80000046;
	[dreg:$0x1] =	wrdreg $0xFFFFFFFF  }
0xad: {  	s28 =	simm.s32 $_size_execute0_lowered;
	s3 =	sadd.s32 s3, s5;
	[dreg:$0x0] =	wrdreg $0x0  }
0xae: {  	s5 =	sshll.u32 s28, $0x1;
	[dreg:$0x2] =	wrdreg s3  }
0xaf: {  	[dreg:$0x3] =	wrdreg s5  }
0xb0: {  	[dreg:$0x4] =	wrdreg $0xC0  }
0xb1: {  	_ =	task [dreg:s7], $0x5FFFF  }
0xb2: {  	[dreg:$0x1] =	wrdreg $0xFFFFFFFF  }
0xb3: {  	[dreg:$0x0] =	wrdreg $0x60  }
0xb4: {  	[dreg:$0x2] =	wrdreg s16  }
0xb5: {  	[dreg:$0x3] =	wrdreg s24  }
0xb6: {  	[dreg:$0x4] =	wrdreg $0x9  }
0xb7: {  	_ =	task.clear_ibuf [dreg:s7], $0x5FFFF;
	_ =	strace $0x90000046  }
0xb8: {  	s29 =	simm.s32 $0x9;
	_ =	strace $0x80000048  }
0xb9: {  	_ =	swait.ge [sflag:s29], $0x1  }
0xba: {  	[sflag:s29] =	ssyncadd.s32 $0xFFFFFFFF  }
0xbb: {  	_ =	strace $0x90000048  }
0xbc: {  	_ =	sfence  }
0xbd: {  	s30 =	sld [smem:$0x0];
	_ =	sdelay $0x2  }
0xbe: {  	s31 =	sshll.u32 s1, $0xD;
	s1 =	sshrl.u32 s1, $0x2  }
0xbf: {  	s3 =	sand.u32 $0x4000, s31;
	s1 =	sadd.s32 s1, s30  }
0xc0: {  	s0 =	sor.u32 s3, s0;
	s1 =	sshll.u32 s1, $0x11  }
0xc1: {  	s0 =	sor.u32 s1, s0  }
0xc2: {  	s0 =	sadd.s32 $0x8F2B, s0  }
0xc3: {  	[sflag:s0] =	ssyncadd.remote.s32 $0x1  }
0xc4: {  	_ =	sfence.sel $0xFFFF  }
0xc5: {  	[dreg:$0x0] =	wrdreg $0xFFFFFFFF;
	(pc) =	sbr.abs _section_cstart, $3  }
0xc6: {  	[dreg:$0x1] =	wrdreg $0xFFFFFFFF  }
0xc7: {  	_ =	task.clear_ibuf [dreg:s7], $0x2FFFF;
	_ =	strace $0x9FFFFFFF  }
0xc8: {  	(tm) =	ssettm $0x7FFFFFFF  }
0xc9: {  	_ =	shalt  }
tec
execute0_lowered:
.L_overlay_start_1:
0x0: {  	(tag) =	ssettag $0x1  }
0x1: {  	s3 =	rddreg [dreg:$0x0]  }
0x2: {  	s4 =	rddreg [dreg:$0x1]  }
0x3: {  	s0 =	rddreg [dreg:$0x2]  }
0x4: {  	s2 =	simm.s32 $0x0;
	s5 =	srdreg.scid;
	s1 =	stileid.u32  }
0x5: {  	s9 =	simm.s32 $0x200;
	[smem:$0x7FF] =	sst s2;
	s5 =	sand.u32 $0x1, s5  }
0x6: {  	s6 =	sshll.u32 s1, $0x5;
	s7 =	sshll.u32 s1, $0x7;
	s8 =	sshll.u32 s5, $0x4  }
0x7: {  	s6 =	sand.u32 $0x60, s6;
	s7 =	sand.u32 $0x600, s7;
	s5 =	ssub.s32 $0x2, s5  }
0x8: {  	_ =	strace $0x80000047;
	s6 =	sor.u32 s8, s6;
	s31 =	sshrl.u32 s5, $0x1  }
0x9: {  	s8 =	simm.s32 $0x1;
	s6 =	sor.u32 s7, s6;
	s5 =	ssub.s32 s5, s31  }
0xa: {  	s7 =	simm.s32 $0x400;
	s4 =	sadd.s32 s6, s4;
	s3 =	sadd.s32 s3, s6  }
0xb: {  	v0 =	vimm.s32 $0x0;
	s5 =	smax.u32 s5, $0x1;
	s6 =	simm.s32 $0x80;
	s4 =	sadd.s32 $0x1000, s4  }
.LBB2_1:
0xc: {  	[tilespmem:s2], [sflag:$0x1] =	stream.strided.gather [hbm4b:s3+s6], $0x200, s7, s6, $0x38;
	[tilespmem:$0x400] =	vst v63  }
0xd: {  	_ =	swait.ge [sflag:s8], $0x200  }
0xe: {  	[sflag:s8] =	ssyncset.done $0x0  }
0xf: {  	[sflag:s8] =	ssyncadd.s32 $0xFFFFFE00  }
0x10: {  	v1 =	vld [tilespmem:$0x0]  }
0x11: {  	v2 =	vld [tilespmem:$0x40]  }
0x12: {  	v3 =	vld [tilespmem:$0x80]  }
0x13: {  	v4 =	vld [tilespmem:$0xC0]  }
0x14: {  	v5 =	vld [tilespmem:$0x100]  }
0x15: {  	v6 =	vld [tilespmem:$0x140]  }
0x16: {  	v8 =	vld [tilespmem:$0x180];
	v7 =	vmax.f32 v1, v2  }
0x17: {  	v10 =	vld [tilespmem:$0x1C0];
	vm0 =	vgt.f32 v2, v1;
	v9 =	vmax.f32 v7, v3  }
0x18: {  	v11 =	vsel vm0, $0x1, v0;
	vm10 =	vgt.f32 v3, v7;
	v24 =	vmax.f32 v9, v4  }
0x19: {  	v11 =	vsel vm10, $0x2, v11;
	vm11 =	vgt.f32 v4, v9;
	v25 =	vmax.f32 v24, v5  }
0x1a: {  	v11 =	vsel vm11, $0x3, v11;
	vm12 =	vgt.f32 v5, v24;
	v26 =	vmax.f32 v25, v6  }
0x1b: {  	v11 =	vsel vm12, $0x4, v11;
	vm13 =	vgt.f32 v6, v25;
	v27 =	vmax.f32 v26, v8  }
0x1c: {  	v11 =	vsel vm13, $0x5, v11;
	vm1 =	vgt.f32 v8, v26;
	vm14 =	vgt.f32 v10, v27  }
0x1d: {  	v7 =	vsel vm1, $0x6, v11;
	vm5 =	vmneg vm14  }
0x1e: {  	v7 =	vnsel vm5, $0x7, v7  }
0x1f: {  	vm7 =	veq.s32 v7, $0x0;
	vm10 =	veq.s32 v7, $0x1  }
0x20: {  	vm0 =	veq.s32 v7, $0x2;
	v1 =	vsel vm7, $0xFF800000, v1;
	v2 =	vsel vm10, $0xFF800000, v2  }
0x21: {  	vm4 =	veq.s32 v7, $0x3;
	v3 =	vsel vm0, $0xFF800000, v3;
	v28 =	vmax.f32 v1, v2  }
0x22: {  	vm8 =	veq.s32 v7, $0x4;
	v4 =	vsel vm4, $0xFF800000, v4;
	v12 =	vmax.f32 v28, v3  }
0x23: {  	vm2 =	veq.s32 v7, $0x5;
	v5 =	vsel vm8, $0xFF800000, v5;
	v13 =	vmax.f32 v12, v4  }
0x24: {  	vm3 =	vmand vm5, vm1;
	v6 =	vsel vm2, $0xFF800000, v6;
	v29 =	vmax.f32 v13, v5  }
0x25: {  	v8 =	vsel vm3, $0xFF800000, v8;
	v14 =	vmax.f32 v29, v6  }
0x26: {  	v16 =	vnsel vm5, $0xFF800000, v10;
	v15 =	vmax.f32 v14, v8  }
0x27: {  	v9 =	vmax.f32 v27, v10;
	v30 =	vmax.f32 v15, v16  }
0x28: {  	v9 =	vsub.f32 v30, v9;
	_ =	sdelay $0x1  }
0x29: {  	v9 =	vmul.f32 $1.442695020e+00, v9  }
0x2a: {  	vm15 =	vgt.f32 v2, v1  }
0x2b: {  	v2 =	vld [tilespmem:$0x10];
	v1 =	vsel vm15, $0x1, v0;
	vm6 =	vgt.f32 v3, v28;
	(erf) = vpow2.f32 v9  }
0x2c: {  	v3 =	vld [tilespmem:$0x50];
	v1 =	vsel vm6, $0x2, v1;
	vm9 =	vgt.f32 v4, v12  }
0x2d: {  	v32 =	vld [tilespmem:$0x90];
	v1 =	vsel vm9, $0x3, v1;
	vm11 =	vgt.f32 v5, v13  }
0x2e: {  	v34 =	vld [tilespmem:$0xD0];
	v1 =	vsel vm11, $0x4, v1;
	vm12 =	vgt.f32 v6, v29  }
0x2f: {  	v35 =	vld [tilespmem:$0x110];
	v1 =	vsel vm12, $0x5, v1;
	vm1 =	vgt.f32 v8, v14  }
0x30: {  	v1 =	vsel vm1, $0x6, v1  }
0x31: {  	v36 =	vld [tilespmem:$0x150];
	v37 =	vmax.f32 v2, v3;
	vm6 =	vgt.f32 v16, v15;
	vm9 =	vgt.f32 v3, v2  }
0x32: {  	v38 =	vld [tilespmem:$0x190];
	v39 =	vmax.f32 v37, v32;
	v41 =	vsel vm9, $0x1, v0;
	vm13 =	vgt.f32 v32, v37  }
0x33: {  	v40 =	vld [tilespmem:$0x1D0];
	vm9 =	vmneg vm6;
	v42 =	vmax.f32 v39, v34;
	v13 =	vsel vm13, $0x2, v41  }
0x34: {  	vm14 =	vgt.f32 v34, v39;
	v46 =	vnsel vm9, $0x7, v1;
	v43 =	vmax.f32 v42, v35;
	v31 =	vpop (erf)  }
0x35: {  	v13 =	vsel vm14, $0x3, v13;
	vm15 =	vgt.f32 v35, v42;
	v33 =	vadd.f32 $1.000000000e+00, v31  }
0x36: {  	v41 =	vimm.s32 $0x0;
	v44 =	vmax.f32 v43, v36;
	v13 =	vsel vm15, $0x4, v13  }
0x37: {  	vm12 =	vgt.f32 v36, v43;
	v45 =	vmax.f32 v44, v38;
	(erf) = vrcp.f32 v33  }
0x38: {  	v13 =	vsel vm12, $0x5, v13;
	vm13 =	vgt.f32 v38, v44;
	vm11 =	vgt.f32 v40, v45  }
0x39: {  	v7 =	vsel vm13, $0x6, v13;
	v50 =	vmax.f32 v45, v40;
	vm12 =	vmneg vm11  }
0x3a: {  	v7 =	vnsel vm12, $0x7, v7;
	vm13 =	vmand vm12, vm13;
	v29 =	vnsel vm12, $0xFF800000, v40  }
0x3b: {  	v40 =	vimm.s32 $0x0;
	vm11 =	veq.s32 v7, $0x0;
	vm14 =	veq.s32 v7, $0x2  }
0x3c: {  	vm6 =	veq.s32 v7, $0x4;
	v48 =	vsel vm11, $0xFF800000, v2;
	v2 =	vimm.s32 $0x0  }
0x3d: {  	vm15 =	veq.s32 v7, $0x3;
	v27 =	vsel vm13, $0xFF800000, v38;
	v2 =	vsel vm6, $0xFFFFFFFF, v2  }
0x3e: {  	v22 =	vsel vm6, $0xFF800000, v35;
	vm6 =	veq.s32 v7, $0x5;
	[tilespmem:$0x1FF80] =	vst v2;
	v2 =	vimm.s32 $0x0  }
0x3f: {  	v18 =	vsel vm14, $0xFF800000, v32;
	v20 =	vsel vm15, $0xFF800000, v34;
	v2 =	vsel vm6, $0xFFFFFFFF, v2  }
0x40: {  	v24 =	vsel vm6, $0xFF800000, v36;
	vm6 =	veq.s32 v46, $0x0;
	[tilespmem:$0x1FF90] =	vst v2;
	v2 =	vimm.s32 $0x0;
	v47 =	vpop (erf)  }
0x41: {  	v2 =	vsel vm13, $0xFFFFFFFF, v2;
	vm13 =	veq.s32 v46, $0x1;
	v1 =	vnsel vm7, $0x0, v47  }
0x42: {  	vm7 =	veq.s32 v7, $0x1;
	v25 =	vmul.f32 v47, v31;
	v4 =	vnsel vm0, $0x0, v47  }
0x43: {  	v6 =	vnsel vm8, $0x0, v47;
	vm8 =	veq.s32 v46, $0x5;
	v10 =	vnsel vm2, $0x0, v47  }
0x44: {  	v12 =	vnsel vm3, $0x0, v47;
	v15 =	vsel vm5, $0x0, v47;
	v49 =	vsel vm7, $0xFF800000, v3  }
0x45: {  	v3 =	vnsel vm10, $0x0, v47;
	vm10 =	veq.s32 v46, $0x3;
	v17 =	vmax.f32 v48, v49  }
0x46: {  	[tilespmem:$0x1FFA0] =	vst v2;
	v2 =	vnsel vm6, $0x0, v25;
	v8 =	vnsel vm13, $0x0, v25;
	vm6 =	veq.s32 v46, $0x2  }
0x47: {  	v30 =	vld [tilespmem:$0x20];
	v7 =	vnsel vm10, $0x0, v25;
	vm13 =	veq.s32 v46, $0x4;
	v19 =	vmax.f32 v17, v18  }
0x48: {  	v31 =	vld [tilespmem:$0x60];
	v11 =	vnsel vm8, $0x0, v25;
	vm10 =	vmand vm9, vm1;
	v21 =	vmax.f32 v19, v20  }
0x49: {  	v32 =	vld [tilespmem:$0xA0];
	v9 =	vnsel vm6, $0x0, v25;
	v13 =	vnsel vm13, $0x0, v25;
	v23 =	vmax.f32 v21, v22  }
0x4a: {  	v33 =	vld [tilespmem:$0xE0];
	vm13 =	vgt.f32 v49, v48;
	v14 =	vnsel vm10, $0x0, v25;
	v26 =	vmax.f32 v23, v24  }
0x4b: {  	vm0 =	vgt.f32 v18, v17;
	v49 =	vimm.s32 $0x0;
	v28 =	vmax.f32 v26, v27  }
0x4c: {  	v34 =	vld [tilespmem:$0x120];
	v1 =	vadd.f32 v2, v1;
	v2 =	vadd.f32 v8, v3;
	v51 =	vmax.f32 v28, v29  }
0x4d: {  	v53 =	vld [tilespmem:$0x160];
	v35 =	vsel vm13, $0x1, v0;
	v36 =	vmax.f32 v30, v31;
	v5 =	vsub.f32 v51, v50  }
0x4e: {  	v35 =	vsel vm0, $0x2, v35;
	[tilespmem:$0x200] =	vst v1;
	v1 =	vadd.f32 v9, v4;
	v54 =	vmax.f32 v36, v32  }
0x4f: {  	v37 =	vld [tilespmem:$0x1A0];
	vm6 =	vgt.f32 v32, v36;
	v56 =	vmax.f32 v54, v33;
	v52 =	vmul.f32 $1.442695020e+00, v5  }
0x50: {  	v55 =	vld [tilespmem:$0x1E0];
	vm8 =	vgt.f32 v33, v54;
	v5 =	vnsel vm4, $0x0, v47;
	vm4 =	vgt.f32 v31, v30  }
0x51: {  	v57 =	vmax.f32 v56, v34;
	v38 =	vsel vm4, $0x1, v0;
	(erf) = vpow2.f32 v52  }
0x52: {  	vm10 =	vgt.f32 v34, v56;
	v58 =	vmax.f32 v57, v53;
	v38 =	vsel vm6, $0x2, v38  }
0x53: {  	vm13 =	vgt.f32 v53, v57;
	v50 =	vimm.s32 $0x0;
	v38 =	vsel vm8, $0x3, v38  }
0x54: {  	v59 =	vmax.f32 v58, v37;
	vm1 =	vgt.f32 v37, v58;
	v38 =	vsel vm10, $0x4, v38  }
0x55: {  	[tilespmem:$0x240] =	vst v2;
	vm4 =	vgt.f32 v55, v59;
	v2 =	vadd.f32 v7, v5;
	v38 =	vsel vm13, $0x5, v38  }
0x56: {  	v17 =	vmax.f32 v59, v55;
	vm4 =	vmneg vm4;
	v38 =	vsel vm1, $0x6, v38  }
0x57: {  	v44 =	vnsel vm4, $0xFF800000, v55;
	[tilespmem:$0x2C0] =	vst v2;
	v2 =	vadd.f32 v11, v10;
	v38 =	vnsel vm4, $0x7, v38  }
0x58: {  	vm8 =	veq.s32 v38, $0x0;
	vm10 =	veq.s32 v38, $0x1;
	vm13 =	veq.s32 v38, $0x2  }
0x59: {  	vm6 =	veq.s32 v38, $0x3;
	vm5 =	veq.s32 v38, $0x4;
	v30 =	vsel vm8, $0xFF800000, v30  }
0x5a: {  	v31 =	vsel vm10, $0xFF800000, v31;
	v32 =	vsel vm13, $0xFF800000, v32;
	v40 =	vsel vm6, $0xFFFFFFFF, v40;
	v39 =	vpop (erf)  }
0x5b: {  	v33 =	vsel vm6, $0xFF800000, v33;
	v41 =	vsel vm5, $0xFFFFFFFF, v41;
	v60 =	vadd.f32 $1.000000000e+00, v39  }
0x5c: {  	v34 =	vsel vm5, $0xFF800000, v34;
	vm6 =	veq.s32 v38, $0x5;
	v61 =	vmax.f32 v30, v31  }
0x5d: {  	vm5 =	vmand vm4, vm1;
	v62 =	vmax.f32 v61, v32;
	(erf) = vrcp.f32 v60  }
0x5e: {  	v56 =	vld [tilespmem:$0x70];
	v38 =	vsel vm6, $0xFFFFFFFF, v49;
	v42 =	vsel vm6, $0xFF800000, v53;
	v63 =	vmax.f32 v62, v33  }
0x5f: {  	v55 =	vld [tilespmem:$0x30];
	v16 =	vsel vm5, $0xFFFFFFFF, v50;
	v37 =	vsel vm5, $0xFF800000, v37;
	[tilespmem:$0x1FFD0] =	vst v38;
	v38 =	vmax.f32 v63, v34  }
0x60: {  	vm6 =	vgt.f32 v20, v19;
	vm5 =	vgt.f32 v22, v21;
	v43 =	vmax.f32 v38, v42  }
0x61: {  	v51 =	vsel vm6, $0x3, v35;
	vm6 =	vgt.f32 v24, v23;
	v35 =	vmax.f32 v43, v37  }
0x62: {  	[tilespmem:$0x1FFE0] =	vst v16;
	v16 =	vsel vm5, $0x4, v51;
	vm5 =	vgt.f32 v29, v28;
	v52 =	vmax.f32 v35, v44  }
0x63: {  	v16 =	vsel vm6, $0x5, v16;
	vm6 =	vgt.f32 v27, v26;
	v17 =	vsub.f32 v52, v17  }
0x64: {  	v57 =	vld [tilespmem:$0xB0];
	v46 =	vmax.f32 v55, v56;
	vm2 =	vmneg vm5;
	v53 =	vsel vm6, $0x6, v16  }
0x65: {  	v58 =	vld [tilespmem:$0xF0];
	v16 =	vsel vm9, $0x0, v25;
	vm9 =	vgt.f32 v31, v30;
	v54 =	vmul.f32 $1.442695020e+00, v17  }
0x66: {  	[tilespmem:$0x340] =	vst v2;
	v25 =	vnsel vm2, $0x7, v53;
	v31 =	vsel vm9, $0x1, v0;
	v2 =	vadd.f32 v16, v15;
	v24 =	vpop (erf)  }
0x67: {  	v45 =	vld [tilespmem:$0x130];
	vm5 =	veq.s32 v25, $0x1;
	(erf) = vpow2.f32 v54;
	v27 =	vmul.f32 v24, v39  }
0x68: {  	v59 =	vld [tilespmem:$0x170];
	v17 =	vnsel vm11, $0x0, v24;
	vm11 =	veq.s32 v25, $0x0;
	v18 =	vnsel vm7, $0x0, v24  }
0x69: {  	v19 =	vnsel vm14, $0x0, v24;
	vm14 =	vgt.f32 v57, v46;
	v46 =	vmax.f32 v46, v57  }
0x6a: {  	v47 =	vld [tilespmem:$0x1B0];
	vm7 =	veq.s32 v25, $0x2;
	v20 =	vnsel vm15, $0x0, v24;
	vm15 =	vgt.f32 v58, v46  }
0x6b: {  	v46 =	vmax.f32 v46, v58;
	v23 =	vnsel vm11, $0x0, v27;
	v21 =	vnsel vm5, $0x0, v27  }
0x6c: {  	v49 =	vld [tilespmem:$0x1F0];
	vm11 =	vgt.f32 v56, v55;
	vm5 =	vgt.f32 v45, v46;
	v46 =	vmax.f32 v46, v45  }
0x6d: {  	v22 =	vnsel vm7, $0x0, v27;
	v48 =	vsel vm11, $0x1, v0;
	vm7 =	vgt.f32 v59, v46  }
0x6e: {  	v46 =	vmax.f32 v46, v59;
	vm11 =	veq.s32 v25, $0x3;
	v48 =	vsel vm14, $0x2, v48  }
0x6f: {  	vm0 =	vgt.f32 v47, v46;
	v46 =	vmax.f32 v46, v47;
	v48 =	vsel vm15, $0x3, v48  }
0x70: {  	vm14 =	vgt.f32 v32, v61;
	v32 =	vnsel vm11, $0x0, v27;
	v48 =	vsel vm5, $0x4, v48  }
0x71: {  	v61 =	vimm.s32 $0x0;
	vm9 =	vgt.f32 v49, v46;
	v48 =	vsel vm7, $0x5, v48  }
0x72: {  	v31 =	vsel vm14, $0x2, v31;
	vm5 =	vmneg vm9;
	v50 =	vpop (erf);
	v48 =	vsel vm0, $0x6, v48  }
0x73: {  	[tilespmem:$0x1FFB0] =	vst v40;
	v40 =	vnsel vm5, $0xFF800000, v49;
	v51 =	vadd.f32 $1.000000000e+00, v50;
	v60 =	vnsel vm5, $0x7, v48  }
0x74: {  	vm3 =	veq.s32 v60, $0x0;
	vm7 =	veq.s32 v60, $0x1;
	vm14 =	veq.s32 v60, $0x2  }
0x75: {  	vm9 =	veq.s32 v60, $0x3;
	vm11 =	veq.s32 v60, $0x4;
	vm15 =	veq.s32 v60, $0x5  }
0x76: {  	v54 =	vld [tilespmem:$0x1FF80];
	(erf) = vrcp.f32 v51;
	v26 =	vsel vm3, $0xFF800000, v55;
	v28 =	vsel vm7, $0xFF800000, v56  }
0x77: {  	v29 =	vsel vm14, $0xFF800000, v57;
	v39 =	vsel vm9, $0xFF800000, v58;
	v48 =	vmax.f32 v26, v28  }
0x78: {  	v45 =	vsel vm11, $0xFF800000, v45;
	v36 =	vsel vm15, $0xFFFFFFFF, v61;
	v51 =	vmax.f32 v48, v29  }
0x79: {  	v30 =	vsel vm15, $0xFF800000, v59;
	vm15 =	vmand vm5, vm0;
	v52 =	vmax.f32 v51, v39  }
0x7a: {  	vm0 =	vgt.f32 v33, v62;
	[tilespmem:$0x1FFF0] =	vst v36;
	v47 =	vsel vm15, $0xFF800000, v47;
	v36 =	vmax.f32 v52, v45  }
0x7b: {  	v31 =	vsel vm0, $0x3, v31;
	vm0 =	vnez.u8 v54;
	v53 =	vmax.f32 v36, v30  }
0x7c: {  	v54 =	vnsel vm0, $0x0, v24;
	vm0 =	vgt.f32 v34, v63;
	v63 =	vld [tilespmem:$0x1FF90];
	v33 =	vmax.f32 v53, v47  }
0x7d: {  	[tilespmem:$0x280] =	vst v1;
	v1 =	vadd.f32 v13, v6;
	v46 =	vmax.f32 v46, v49;
	v62 =	vmax.f32 v33, v40  }
0x7e: {  	[tilespmem:$0x3C0] =	vst v2;
	v2 =	vadd.f32 v21, v18;
	v49 =	vld [tilespmem:$0x1FFA0];
	v46 =	vsub.f32 v62, v46  }
0x7f: {  	vm6 =	vmand vm2, vm6;
	vm1 =	veq.s32 v25, $0x4;
	v17 =	vadd.f32 v23, v17  }
0x80: {  	[tilespmem:$0x250] =	vst v2;
	v2 =	vadd.f32 v32, v20;
	v59 =	vadd.f32 v14, v12;
	v46 =	vmul.f32 $1.442695020e+00, v46  }
0x81: {  	v34 =	vnsel vm1, $0x0, v27;
	v31 =	vsel vm0, $0x4, v31;
	vm0 =	vnez.u8 v63  }
0x82: {  	[tilespmem:$0x1FFC0] =	vst v41;
	v55 =	vld [tilespmem:$0x1FFB0];
	v41 =	vnsel vm0, $0x0, v24;
	vm0 =	vgt.f32 v42, v38;
	(erf) = vpow2.f32 v46  }
0x83: {  	vm1 =	veq.s32 v25, $0x5;
	v42 =	vsel vm0, $0x5, v31;
	vm0 =	vnez.u8 v49  }
0x84: {  	v31 =	vnsel vm1, $0x0, v27;
	vm1 =	vgt.f32 v44, v35;
	v38 =	vnsel vm0, $0x0, v24  }
0x85: {  	v63 =	vld [tilespmem:$0x1FFE0];
	v35 =	vpop (erf);
	vm0 =	vgt.f32 v37, v43;
	vm1 =	vmneg vm1;
	v37 =	vnsel vm6, $0x0, v27  }
0x86: {  	v24 =	vsel vm12, $0x0, v24;
	v27 =	vsel vm2, $0x0, v27;
	v43 =	vnsel vm8, $0x0, v35  }
0x87: {  	v3 =	vnsel vm13, $0x0, v35;
	vm13 =	vnez.u8 v55;
	v23 =	vsel vm4, $0x0, v35  }
0x88: {  	[tilespmem:$0x2D0] =	vst v2;
	v2 =	vadd.f32 v31, v41;
	vm4 =	vgt.f32 v40, v33;
	v25 =	vsel vm0, $0x6, v42  }
0x89: {  	v42 =	vmul.f32 v35, v50;
	v8 =	vnsel vm13, $0x0, v35;
	vm0 =	vmand vm1, vm0  }
0x8a: {  	[tilespmem:$0x300] =	vst v1;
	v57 =	vld [tilespmem:$0x1FFC0];
	v25 =	vnsel vm1, $0x7, v25;
	v46 =	vnsel vm10, $0x0, v35;
	vm13 =	vnez.u8 v63  }
0x8b: {  	v1 =	vld [tilespmem:$0x1FFD0];
	[tilespmem:$0x350] =	vst v2;
	v2 =	vadd.f32 v27, v24;
	vm6 =	veq.s32 v25, $0x0;
	vm8 =	veq.s32 v25, $0x1;
	v60 =	vpop (erf)  }
0x8c: {  	vm10 =	veq.s32 v25, $0x2;
	vm12 =	veq.s32 v25, $0x3;
	v61 =	vadd.f32 $1.000000000e+00, v60  }
0x8d: {  	v13 =	vnsel vm13, $0x0, v35;
	vm13 =	vgt.f32 v30, v36;
	v44 =	vnsel vm6, $0x0, v42  }
0x8e: {  	v49 =	vnsel vm8, $0x0, v42;
	v50 =	vnsel vm10, $0x0, v42;
	(erf) = vrcp.f32 v61  }
0x8f: {  	v56 =	vnsel vm12, $0x0, v42;
	vm6 =	vnez.u8 v57;
	vm8 =	veq.s32 v25, $0x4  }
0x90: {  	vm10 =	vnez.u8 v1;
	vm12 =	veq.s32 v25, $0x5;
	v25 =	vnsel vm0, $0x0, v42  }
0x91: {  	v5 =	vnsel vm6, $0x0, v35;
	v58 =	vnsel vm8, $0x0, v42;
	vm6 =	vgt.f32 v28, v26  }
0x92: {  	v1 =	vnsel vm10, $0x0, v35;
	vm8 =	vgt.f32 v29, v48;
	v35 =	vsel vm6, $0x1, v0  }
0x93: {  	[tilespmem:$0x210] =	vst v17;
	v62 =	vnsel vm12, $0x0, v42;
	vm10 =	vgt.f32 v39, v51;
	v16 =	vsel vm8, $0x2, v35  }
0x94: {  	[tilespmem:$0x380] =	vst v59;
	v26 =	vadd.f32 v22, v19;
	vm12 =	vgt.f32 v45, v52;
	v16 =	vsel vm10, $0x3, v16  }
0x95: {  	[tilespmem:$0x3D0] =	vst v2;
	v28 =	vsel vm1, $0x0, v42;
	v42 =	vadd.f32 v34, v54;
	v16 =	vsel vm12, $0x4, v16  }
0x96: {  	vm0 =	vgt.f32 v47, v53;
	v45 =	vadd.f32 v37, v38;
	[tilespmem:$0x290] =	vst v26;
	v16 =	vsel vm13, $0x5, v16  }
0x97: {  	v2 =	vadd.f32 v50, v3;
	vm1 =	vmneg vm4;
	[tilespmem:$0x310] =	vst v42;
	v3 =	vsel vm0, $0x6, v16;
	v50 =	vpop (erf)  }
0x98: {  	v48 =	vadd.f32 v44, v43;
	[tilespmem:$0x390] =	vst v45;
	v3 =	vnsel vm1, $0x7, v3;
	v52 =	vmul.f32 v50, v60  }
0x99: {  	v49 =	vadd.f32 v49, v46;
	[tilespmem:$0x2A0] =	vst v2;
	v2 =	vadd.f32 v25, v13;
	vm8 =	veq.s32 v3, $0x2  }
0x9a: {  	v51 =	vadd.f32 v56, v8;
	[tilespmem:$0x220] =	vst v48;
	v57 =	vnsel vm14, $0x0, v50;
	v10 =	vnsel vm8, $0x0, v52  }
0x9b: {  	v5 =	vadd.f32 v58, v5;
	[tilespmem:$0x3A0] =	vst v2;
	v2 =	vadd.f32 v10, v57  }
0x9c: {  	v1 =	vadd.f32 v62, v1;
	v55 =	vadd.f32 v28, v23;
	[tilespmem:$0x260] =	vst v49  }
0x9d: {  	vm0 =	vmand vm1, vm0;
	vm6 =	veq.s32 v3, $0x0;
	vm10 =	veq.s32 v3, $0x3;
	[tilespmem:$0x2B0] =	vst v2;
	v2 =	vld [tilespmem:$0x1FFF0]  }
0x9e: {  	[tilespmem:$0x2E0] =	vst v51;
	vm12 =	veq.s32 v3, $0x4;
	v56 =	vnsel vm7, $0x0, v50;
	vm7 =	veq.s32 v3, $0x1  }
0x9f: {  	[tilespmem:$0x360] =	vst v1;
	vm13 =	veq.s32 v3, $0x5;
	v53 =	vnsel vm3, $0x0, v50;
	v1 =	vnsel vm7, $0x0, v52  }
0xa0: {  	[tilespmem:$0x320] =	vst v5;
	v58 =	vnsel vm9, $0x0, v50;
	v54 =	vnsel vm6, $0x0, v52;
	v1 =	vadd.f32 v1, v56  }
0xa1: {  	[tilespmem:$0x3E0] =	vst v55;
	v60 =	vnsel vm11, $0x0, v50;
	v59 =	vnsel vm10, $0x0, v52;
	v6 =	vadd.f32 v54, v53  }
0xa2: {  	v61 =	vnsel vm12, $0x0, v52;
	[tilespmem:$0x270] =	vst v1;
	v1 =	vadd.f32 v59, v58;
	vm14 =	vnez.u8 v2  }
0xa3: {  	v3 =	vnsel vm13, $0x0, v52;
	v62 =	vadd.f32 v61, v60;
	[tilespmem:$0x230] =	vst v6;
	v2 =	vnsel vm14, $0x0, v50  }
0xa4: {  	[tilespmem:$0x2F0] =	vst v1;
	v1 =	vadd.f32 v3, v2;
	v2 =	vnsel vm15, $0x0, v50;
	v3 =	vnsel vm0, $0x0, v52  }
0xa5: {  	v63 =	vsel vm1, $0x0, v52;
	[tilespmem:$0x330] =	vst v62;
	v2 =	vadd.f32 v3, v2;
	v3 =	vsel vm5, $0x0, v50  }
0xa6: {  	[tilespmem:$0x370] =	vst v1;
	v1 =	vadd.f32 v63, v3  }
0xa7: {  	p0 =	sne.s32 s5, $0x1;
	[tilespmem:$0x3B0] =	vst v2  }
.Ltmp0:
0xa8: {  	[tilespmem:$0x3F0] =	vst v1;
	(pc) =	sbr.rel @p0 .LBB2_1-.Ltmp0, $4  }
0xa9: {  	[hbm4b:s4+s6] =	stream.strided.scatter [tilespmem:s9], [sflag:$0x1], $0x200, s7, s6, $0x38;
	[tilespmem:$0x400] =	vst v63  }
0xaa: {  	_ =	swait.ge [sflag:s8], $0x200  }
0xab: {  	[sflag:s8] =	ssyncset.done $0x0  }
0xac: {  	s5 =	sadd.s32 $0xFFFFFFFF, s5;
	[sflag:s8] =	ssyncadd.s32 $0xFFFFFE00  }
0xad: {  	_ =	sfence.sel $0x180000  }
0xae: {  	[bflag:$0x0] =	sbarrier.arrive $0xFFFF  }
0xaf: {  	p0 =	sne.s32 s1, $0x0;
	_ =	strace $0x90000047  }
0xb0: {  	s0 =	sadd.s32 @!p0 $0x100000, s0;
	[bflag:$0x2] =	sbarrier.arrive $0xFFFF  }
0xb1: {  	[sflag:s0] =	ssyncadd.tile.s32 @!p0 $0x1;
	_ =	shalt  }
.Lfunc_end2:
_tile_overlayer_lowered:
.L_overlay_start_2:
0xb2: {  	(tag) =	ssettag $0x2  }
0xb3: {  	s0 =	rddreg [dreg:$0x0];
	s2 =	stileid.u32  }
0xb4: {  	s1 =	rddreg [dreg:$0x1];
	p0 =	sne.s32 s2, $0x0  }
0xb5: {  	s3 =	rddreg [dreg:$0x2];
	[bflag:$0x3] =	sbarrier.arrive $0xFFFF;
	s2 =	simm.s32 @!p0 $0x1C01  }
0xb6: {  	[timem:s3], [sflag:s2] =	dma.local @!p0 [hbm:s0], s1  }
0xb7: {  	s0 =	simm.s32 @!p0 $0x1  }
0xb8: {  	_ =	swait.ge @!p0 [sflag:s0], s1  }
0xb9: {  	s1 =	ssub.s32 @!p0 $0x0, s1;
	[sflag:s0] =	ssyncset.done @!p0 $0x0  }
0xba: {  	[sflag:s0] =	ssyncadd.s32 @!p0 s1  }
0xbb: {  	[bflag:$0x3] =	sbarrier.arrive $0xFFFF  }
0xbc: {  	_ =	shalt  }

</sc_bundles>
